<compile_context>
chip_gen: v7x
topology: tpu7x:2x2x1
jax: 0.10.2.dev20260603
libtpu: 0.0.44.dev20260713+nightly
codegen_flags: <defaults>
</compile_context>

<pallas_src>
import functools

import jax
import jax.numpy as jnp
from jax import lax
from jax.experimental import pallas as pl
from jax.experimental.pallas import tpu as pltpu
from jax.experimental.pallas import tpu_sc as plsc

IN_F = 4096
OUT_F = 4096
TOTAL = IN_F * OUT_F

NW = 32
CSZ = 65536
CROWS = CSZ // IN_F
SAMP = 512
NCH = TOTAL // CSZ
NSUB = NCH // NW
WIN = 8192
WBUF = WIN + 16
SBUF = ((NCH + 1 + 31) // 16) * 16


def _sel(buf, i):
    return buf[pl.ds(i, 16)][0]


def _split_body(idx_ref, v_ref, r_ref, c_ref, vo_ref):
    r_ref[...] = idx_ref[0, :]
    c_ref[...] = idx_ref[1, :]
    vo_ref[...] = v_ref[...]


def _split(sparse_indices, sparse_values, padn):
    bn = 131072
    grid = (padn // bn,)
    return pl.pallas_call(
        _split_body,
        grid=grid,
        in_specs=[
            pl.BlockSpec((2, bn), lambda j: (0, j)),
            pl.BlockSpec((bn,), lambda j: (j,)),
        ],
        out_specs=[
            pl.BlockSpec((bn,), lambda j: (j,)),
            pl.BlockSpec((bn,), lambda j: (j,)),
            pl.BlockSpec((bn,), lambda j: (j,)),
        ],
        out_shape=[
            jax.ShapeDtypeStruct((padn,), sparse_indices.dtype),
            jax.ShapeDtypeStruct((padn,), sparse_indices.dtype),
            jax.ShapeDtypeStruct((padn,), sparse_values.dtype),
        ],
    )(sparse_indices, sparse_values)


def _scatter_body(nnz, rows_hbm, cols_hbm, vals_hbm, coarse_hbm, w_hbm,
                  sbuf, dense, rwin, cwin, vwin, sem_ld, sem_o):
    w = lax.axis_index("s") * 2 + lax.axis_index("c")

    pltpu.sync_copy(coarse_hbm, sbuf)

    @pl.loop(0, CROWS)
    def _zero_row(r):
        @pl.loop(0, IN_F // 16)
        def _zero_init(i):
            dense[r, pl.ds(i * 16, 16)] = jnp.zeros((16,), jnp.float32)

    def _windows(c, start, end, value_of):
        astart = jnp.bitwise_and(start, jnp.int32(-8))
        delta = start - astart
        rbase = c * CROWS
        nwin = (end - start + WIN - 1) // WIN

        def _win(m, carry):
            off = pl.multiple_of(astart + m * WIN, 8)
            ld1 = pltpu.async_copy(rows_hbm.at[pl.ds(off, WBUF)], rwin,
                                   sem_ld)
            ld2 = pltpu.async_copy(cols_hbm.at[pl.ds(off, WBUF)], cwin,
                                   sem_ld)
            ld3 = pltpu.async_copy(vals_hbm.at[pl.ds(off, WBUF)], vwin,
                                   sem_ld)
            ld1.wait()
            ld2.wait()
            ld3.wait()
            rem = end - start - m * WIN
            n_j = (jnp.minimum(rem, WIN) + 15) // 16
            wbase = start + m * WIN

            @pl.loop(0, n_j)
            def _scat(j):
                t = j * 16
                rv = rwin[pl.ds(delta + t, 16)]
                cv = cwin[pl.ds(delta + t, 16)]
                vv = vwin[pl.ds(delta + t, 16)]
                g = wbase + t + lax.broadcasted_iota(jnp.int32, (16,), 0)
                lrow = rv - rbase
                mask = ((g < end) & (lrow >= 0) & (lrow < CROWS))
                plsc.store_scatter(dense, [lrow, cv], value_of(vv),
                                   mask=mask)

            return carry

        lax.fori_loop(0, nwin, _win, 0)

    @pl.loop(0, NSUB)
    def _sub(s):
        c = w * NSUB + s
        co0 = _sel(sbuf, c)
        co1 = _sel(sbuf, c + 1)
        lo = jnp.maximum(co0 - 1, 0) * SAMP
        hi = jnp.minimum(co1 * SAMP, nnz)
        r0 = pl.multiple_of(c * CROWS, CROWS)
        nwin = (hi - lo + WIN - 1) // WIN

        @pl.when(nwin <= 1)
        def _fast():
            astart = jnp.bitwise_and(lo, jnp.int32(-8))
            delta = lo - astart
            rbase = c * CROWS
            off = pl.multiple_of(astart, 8)
            ld1 = pltpu.async_copy(rows_hbm.at[pl.ds(off, WBUF)], rwin,
                                   sem_ld)
            ld2 = pltpu.async_copy(cols_hbm.at[pl.ds(off, WBUF)], cwin,
                                   sem_ld)
            ld3 = pltpu.async_copy(vals_hbm.at[pl.ds(off, WBUF)], vwin,
                                   sem_ld)
            ld1.wait()
            ld2.wait()
            ld3.wait()
            n_j = (jnp.maximum(hi - lo, 0) + 15) // 16

            @pl.loop(0, n_j)
            def _scat(j):
                t = j * 16
                rv = rwin[pl.ds(delta + t, 16)]
                cv = cwin[pl.ds(delta + t, 16)]
                vv = vwin[pl.ds(delta + t, 16)]
                g = lo + t + lax.broadcasted_iota(jnp.int32, (16,), 0)
                lrow = rv - rbase
                mask = ((g < hi) & (lrow >= 0) & (lrow < CROWS))
                plsc.store_scatter(dense, [lrow, cv], vv, mask=mask)

            pltpu.async_copy(dense, w_hbm.at[pl.ds(r0, CROWS)],
                             sem_o).wait()

            @pl.loop(0, n_j)
            def _cln(j):
                t = j * 16
                rv = rwin[pl.ds(delta + t, 16)]
                cv = cwin[pl.ds(delta + t, 16)]
                g = lo + t + lax.broadcasted_iota(jnp.int32, (16,), 0)
                lrow = rv - rbase
                mask = ((g < hi) & (lrow >= 0) & (lrow < CROWS))
                plsc.store_scatter(dense, [lrow, cv],
                                   jnp.zeros((16,), jnp.float32), mask=mask)

        @pl.when(nwin > 1)
        def _slow():
            with jax.named_scope("sc_scatter"):
                _windows(c, lo, hi, lambda v: v)
            with jax.named_scope("sc_dma_out"):
                pltpu.async_copy(dense, w_hbm.at[pl.ds(r0, CROWS)],
                                 sem_o).wait()
            with jax.named_scope("sc_clean"):
                _windows(c, lo, hi,
                         lambda v: jnp.zeros((16,), jnp.float32))


def _densify(rows_p, cols_p, vals_p, coarse, nnz):
    mesh = plsc.VectorSubcoreMesh(core_axis_name="c", subcore_axis_name="s")
    return pl.kernel(
        functools.partial(_scatter_body, nnz),
        out_type=jax.ShapeDtypeStruct((OUT_F, IN_F), jnp.float32),
        mesh=mesh,
        compiler_params=pltpu.CompilerParams(needs_layout_passes=False),
        scratch_types=[
            pltpu.VMEM((SBUF,), jnp.int32),
            pltpu.VMEM((CROWS, IN_F), jnp.float32),
            pltpu.VMEM((WBUF,), jnp.int32),
            pltpu.VMEM((WBUF,), jnp.int32),
            pltpu.VMEM((WBUF,), jnp.float32),
            pltpu.SemaphoreType.DMA,
            pltpu.SemaphoreType.DMA,
        ],
    )(rows_p, cols_p, vals_p, coarse)


def _mm_body(x_ref, w_ref, b_ref, o_ref):
    acc = lax.dot_general(
        x_ref[...], w_ref[...],
        (((1,), (1,)), ((), ())),
        preferred_element_type=jnp.float32)
    o_ref[...] = acc + b_ref[...][None, :]


def _matmul(x, w, bias, batch):
    nb = 512
    return pl.pallas_call(
        _mm_body,
        grid=(OUT_F // nb,),
        in_specs=[
            pl.BlockSpec((batch, IN_F), lambda j: (0, 0)),
            pl.BlockSpec((nb, IN_F), lambda j: (j, 0)),
            pl.BlockSpec((nb,), lambda j: (j,)),
        ],
        out_specs=pl.BlockSpec((batch, nb), lambda j: (0, j)),
        out_shape=jax.ShapeDtypeStruct((batch, OUT_F), jnp.float32),
    )(x, w, bias)


def kernel(x, sparse_indices, sparse_values, bias):
    orig_shape = x.shape
    x2d = x.reshape(-1, IN_F)
    batch = x2d.shape[0]

    nnz = sparse_values.shape[0]
    padn = -(-(nnz + 3 * WIN) // 131072) * 131072
    rows_p, cols_p, vals_p = _split(sparse_indices, sparse_values, padn)
    ns = -(-nnz // SAMP)
    pos2d = (jnp.arange(ns, dtype=jnp.int32)[:, None] * SAMP
             + jnp.arange(SAMP, dtype=jnp.int32)[None, :])
    r2d = rows_p[:ns * SAMP].reshape(ns, SAMP)
    sample = jnp.min(jnp.where(pos2d < nnz, r2d, OUT_F), axis=1)
    rbounds = jnp.arange(NCH + 1, dtype=jnp.int32) * CROWS
    coarse = jnp.sum(sample[None, :] < rbounds[:, None],
                     axis=1).astype(jnp.int32)
    coarse_p = jnp.concatenate(
        [coarse, jnp.zeros((SBUF - NCH - 1,), jnp.int32)])

    w = _densify(rows_p, cols_p, vals_p, coarse_p, nnz)
    y = _matmul(x2d, w, bias, batch)
    return y.reshape(*orig_shape[:-1], OUT_F).astype(x.dtype)

# --- scband reference (transcript-rebuilt; emitter-appended) ---
"""Pipeline reference for scband-fixed-sparse-linear-1666447311096 (READ-ONLY COPY).

The authoritative reference and input builder live on the scoring server;
editing this copy changes nothing except your own understanding.
"""

import jax, jax.numpy as jnp
import numpy as np
import math

IN_FEATURES = 4096
OUT_FEATURES = 4096
SPARSITY = 0.9
BATCH = 1024


def setup_inputs(seed: int = 0) -> dict:
    key = jax.random.key(seed)
    k1, k2, k3 = jax.random.split(key, 3)
    total = IN_FEATURES * OUT_FEATURES
    nnz = max(1, int(total * (1.0 - SPARSITY)))
    # Fixed sparse connectivity: nnz unique flat indices, sorted (mirrors torch.randperm + sort)
    rng = np.random.default_rng(0)
    flat = np.sort(rng.choice(total, size=nnz, replace=False))
    rows = (flat // IN_FEATURES).astype(np.int32)
    cols = (flat % IN_FEATURES).astype(np.int32)
    sparse_indices = jnp.asarray(np.stack([rows, cols], axis=0))
    bound = 1.0 / math.sqrt(max(1, IN_FEATURES))
    sparse_values = jax.random.uniform(k1, (nnz,), minval=-bound, maxval=bound, dtype=jnp.float32)
    bias = jax.random.uniform(k2, (OUT_FEATURES,), minval=-bound, maxval=bound, dtype=jnp.float32)
    x = jax.random.normal(k3, (BATCH, IN_FEATURES), dtype=jnp.float32)
    return {"x": x, "sparse_indices": sparse_indices, "sparse_values": sparse_values, "bias": bias}


def reference(x, sparse_indices, sparse_values, bias):
    # y = x W^T + b where W is a fixed-connectivity sparse [OUT, IN] matrix.
    # Scatter-add values into W (equivalent to coalesced sparse COO; indices are unique),
    # then dense matmul. Math is identical to torch.sparse.mm(W, x^T)^T + b.
    original_shape = x.shape
    x2d = x.reshape(-1, IN_FEATURES)
    W = jnp.zeros((OUT_FEATURES, IN_FEATURES), dtype=sparse_values.dtype)
    W = W.at[sparse_indices[0], sparse_indices[1]].add(sparse_values)
    projected = jnp.matmul(W, x2d.astype(sparse_values.dtype).T).T
    projected = projected + bias
    projected = projected.reshape(*original_shape[:-1], OUT_FEATURES)
    return projected.astype(x.dtype)

if __name__ == "__main__":
    import jax
    _d = setup_inputs()
    print(jax.jit(kernel)(*tuple(_d.values())))

</pallas_src>

<mosaic_0001>
#map = affine_map<(d0, d1) -> (0)>
#map1 = affine_map<(d0, d1) -> (0, 0)>
module attributes {stable_mosaic.version = 14 : i64} {
  func.func @_scatter_body(%arg0: i32, %arg1: i32, %arg2: memref<1703936xi32, #tpu.memory_space<hbm>>, %arg3: memref<1703936xi32, #tpu.memory_space<hbm>>, %arg4: memref<1703936xf32, #tpu.memory_space<hbm>>, %arg5: memref<288xi32, #tpu.memory_space<hbm>>, %arg6: memref<4096x4096xf32, #tpu.memory_space<hbm>>, %arg7: memref<288xi32, #tpu.memory_space<vmem>>, %arg8: memref<16x4096xf32, #tpu.memory_space<vmem>>, %arg9: memref<8208xi32, #tpu.memory_space<vmem>>, %arg10: memref<8208xi32, #tpu.memory_space<vmem>>, %arg11: memref<8208xf32, #tpu.memory_space<vmem>>, %arg12: memref<!tpu.dma_semaphore, #tpu.memory_space<semaphore_mem>>, %arg13: memref<!tpu.dma_semaphore, #tpu.memory_space<semaphore_mem>>) attributes {dimension_semantics = [#tpu.dimension_semantics<core_parallel>, #tpu.dimension_semantics<subcore_parallel>], iteration_bounds = array<i64: 2, 16>, scalar_prefetch = 0 : i64, scratch_operands = 7 : i64, tpu.core_type = #tpu.core_type<sc_vector_subcore>, window_params = [{transform_indices = #map}, {transform_indices = #map}, {transform_indices = #map}, {transform_indices = #map}, {transform_indices = #map1}]} {
    %mul3A = arith.constant 2 : i32
    %mul3A_0 = arith.muli %arg1, %mul3A : i32
    %add3A = arith.addi %mul3A_0, %arg0 : i32
    "tpu.region"() ({
      %run_scoped3A = tpu.sem_alloc : memref<!tpu.dma_semaphore, #tpu.memory_space<semaphore_mem>>
      tpu.enqueue_dma source(%arg5 : memref<288xi32, #tpu.memory_space<hbm>>) target(%arg7 : memref<288xi32, #tpu.memory_space<vmem>>) target_semaphore(%run_scoped3A : memref<!tpu.dma_semaphore, #tpu.memory_space<semaphore_mem>>)
      tpu.wait_dma2 semaphore(%run_scoped3A : memref<!tpu.dma_semaphore, #tpu.memory_space<semaphore_mem>>) src(%arg5 : memref<288xi32, #tpu.memory_space<hbm>>) dst(%arg7 : memref<288xi32, #tpu.memory_space<vmem>>)
      tpu.yield
    }) : () -> ()
    %scan3A = arith.constant 0 : i32
    %scan3A_1 = arith.constant 16 : i32
    %scan3A_2 = arith.addi %scan3A, %scan3A_1 : i32
    %scan3A_3 = arith.constant 1 : i32
    scf.for %scan3A_10 = %scan3A to %scan3A_2 step %scan3A_3  : i32 {
      %mul3A_11 = arith.constant 1 : i32
      %mul3A_12 = arith.muli %scan3A_10, %mul3A_11 : i32
      %add3A_13 = arith.constant 0 : i32
      %add3A_14 = arith.addi %add3A_13, %mul3A_12 : i32
      %scan3A_15 = arith.constant 0 : i32
      %scan3A_16 = arith.constant 256 : i32
      %scan3A_17 = arith.addi %scan3A_15, %scan3A_16 : i32
      %scan3A_18 = arith.constant 1 : i32
      scf.for %scan3A_20 = %scan3A_15 to %scan3A_17 step %scan3A_18  : i32 {
        %mul3A_21 = arith.constant 1 : i32
        %mul3A_22 = arith.muli %scan3A_20, %mul3A_21 : i32
        %add3A_23 = arith.constant 0 : i32
        %add3A_24 = arith.addi %add3A_23, %mul3A_22 : i32
        %broadcast_in_dim3A = arith.constant 0.000000e+00 : f32
        %broadcast_in_dim3A_25 = vector.broadcast %broadcast_in_dim3A : f32 to vector<16xf32>
        %mul3A_26 = arith.constant 16 : i32
        %mul3A_27 = arith.muli %add3A_24, %mul3A_26 : i32
        %swap3A = arith.index_cast %add3A_14 : i32 to index
        %swap3A_28 = arith.index_cast %mul3A_27 : i32 to index
        %swap3A_29 = tpu.vector_load %arg8[%swap3A, %swap3A_28] {strides = array<i32>} : memref<16x4096xf32, #tpu.memory_space<vmem>>, vector<16xf32>,
        tpu.vector_store %arg8[%swap3A, %swap3A_28], %broadcast_in_dim3A_25 {strides = array<i32>} : memref<16x4096xf32, #tpu.memory_space<vmem>>, vector<16xf32>,
      }
      %scan3A_19 = arith.constant 256 : i32
    }
    %scan3A_4 = arith.constant 16 : i32
    %scan3A_5 = arith.constant 0 : i32
    %scan3A_6 = arith.constant 8 : i32
    %scan3A_7 = arith.addi %scan3A_5, %scan3A_6 : i32
    %scan3A_8 = arith.constant 1 : i32
    scf.for %scan3A_10 = %scan3A_5 to %scan3A_7 step %scan3A_8  : i32 {
      %mul3A_11 = arith.constant 1 : i32
      %mul3A_12 = arith.muli %scan3A_10, %mul3A_11 : i32
      %add3A_13 = arith.constant 0 : i32
      %add3A_14 = arith.addi %add3A_13, %mul3A_12 : i32
      %mul3A_15 = arith.constant 8 : i32
      %mul3A_16 = arith.muli %add3A, %mul3A_15 : i32
      %add3A_17 = arith.addi %mul3A_16, %add3A_14 : i32
      %get3A = arith.index_cast %add3A_17 : i32 to index
      %get3A_18 = tpu.vector_load %arg7[%get3A] {strides = array<i32>} : memref<288xi32, #tpu.memory_space<vmem>>, vector<16xi32>,
      %slice3A = vector.extract_strided_slice %get3A_18 {offsets = [0], sizes = [1], strides = [1]} : vector<16xi32> to vector<1xi32>
      %squeeze3A = vector.extract %slice3A[0] : i32 from vector<1xi32>
      %add3A_19 = arith.constant 1 : i32
      %add3A_20 = arith.addi %add3A_17, %add3A_19 : i32
      %get3A_21 = arith.index_cast %add3A_20 : i32 to index
      %get3A_22 = tpu.vector_load %arg7[%get3A_21] {strides = array<i32>} : memref<288xi32, #tpu.memory_space<vmem>>, vector<16xi32>,
      %slice3A_23 = vector.extract_strided_slice %get3A_22 {offsets = [0], sizes = [1], strides = [1]} : vector<16xi32> to vector<1xi32>
      %squeeze3A_24 = vector.extract %slice3A_23[0] : i32 from vector<1xi32>
      %sub3A = arith.constant 1 : i32
      %sub3A_25 = arith.subi %squeeze3A, %sub3A : i32
      %max3A = arith.constant 0 : i32
      %max3A_26 = arith.maxsi %sub3A_25, %max3A : i32
      %mul3A_27 = arith.constant 512 : i32
      %mul3A_28 = arith.muli %max3A_26, %mul3A_27 : i32
      %mul3A_29 = arith.constant 512 : i32
      %mul3A_30 = arith.muli %squeeze3A_24, %mul3A_29 : i32
      %min3A = arith.constant 1677721 : i32
      %min3A_31 = arith.minsi %mul3A_30, %min3A : i32
      %mul3A_32 = arith.constant 16 : i32
      %mul3A_33 = arith.muli %add3A_17, %mul3A_32 : i32
      %multiple_of3A = tpu.assume_multiple %mul3A_33, 16 : i32
      %sub3A_34 = arith.subi %min3A_31, %mul3A_28 : i32
      %add3A_35 = arith.constant 8192 : i32
      %add3A_36 = arith.addi %sub3A_34, %add3A_35 : i32
      %sub3A_37 = arith.constant 1 : i32
      %sub3A_38 = arith.subi %add3A_36, %sub3A_37 : i32
      %jit3A = arith.constant 8192 : i32
      %div3A = arith.divsi %sub3A_38, %jit3A : i32
      %sign3A = arith.constant 0 : i32
      %sign3A_39 = arith.cmpi sgt, %sub3A_38, %sign3A : i32
      %sign3A_40 = arith.extui %sign3A_39 : i1 to i32
      %sign3A_41 = arith.constant 0 : i32
      %sign3A_42 = arith.cmpi slt, %sub3A_38, %sign3A_41 : i32
      %sign3A_43 = arith.extui %sign3A_42 : i1 to i32
      %sign3A_44 = arith.subi %sign3A_40, %sign3A_43 : i32
      %sign3A_45 = arith.constant 0 : i32
      %sign3A_46 = arith.cmpi sgt, %jit3A, %sign3A_45 : i32
      %sign3A_47 = arith.extui %sign3A_46 : i1 to i32
      %sign3A_48 = arith.constant 0 : i32
      %sign3A_49 = arith.cmpi slt, %jit3A, %sign3A_48 : i32
      %sign3A_50 = arith.extui %sign3A_49 : i1 to i32
      %sign3A_51 = arith.subi %sign3A_47, %sign3A_50 : i32
      %ne3A = arith.cmpi ne, %sign3A_44, %sign3A_51 : i32
      %rem3A = arith.remsi %sub3A_38, %jit3A : i32
      %ne3A_52 = arith.constant 0 : i32
      %ne3A_53 = arith.cmpi ne, %rem3A, %ne3A_52 : i32
      %and3A = arith.andi %ne3A, %ne3A_53 : i1
      %sub3A_54 = arith.constant 1 : i32
      %sub3A_55 = arith.subi %div3A, %sub3A_54 : i32
      %select_n3A = arith.select %and3A, %sub3A_55, %div3A : i32
      %le3A = arith.constant 1 : i32
      %le3A_56 = arith.cmpi sle, %select_n3A, %le3A : i32
      %convert_element_type3A = arith.extui %le3A_56 : i1 to i32
      %cond3A = arith.constant 0 : i32
      %cond3A_57 = arith.cmpi ne, %convert_element_type3A, %cond3A : i32
      scf.if %cond3A_57 {
        %and3A_62 = arith.constant -8 : i32
        %and3A_63 = arith.andi %mul3A_28, %and3A_62 : i32
        %sub3A_64 = arith.subi %mul3A_28, %and3A_63 : i32
        %mul3A_65 = arith.constant 16 : i32
        %mul3A_66 = arith.muli %add3A_17, %mul3A_65 : i32
        %multiple_of3A_67 = tpu.assume_multiple %and3A_63, 8 : i32
        %dma_start3A = tpu.memref_slice %arg2[%multiple_of3A_67] : memref<1703936xi32, #tpu.memory_space<hbm>> -> memref<8208xi32, #tpu.memory_space<hbm>>
        %dma_start3A_68 = tpu.memref_slice %arg2[%multiple_of3A_67] : memref<1703936xi32, #tpu.memory_space<hbm>> -> memref<8208xi32, #tpu.memory_space<hbm>>
        tpu.enqueue_dma source(%dma_start3A_68 : memref<8208xi32, #tpu.memory_space<hbm>>) target(%arg9 : memref<8208xi32, #tpu.memory_space<vmem>>) target_semaphore(%arg12 : memref<!tpu.dma_semaphore, #tpu.memory_space<semaphore_mem>>)
        %dma_start3A_69 = tpu.memref_slice %arg3[%multiple_of3A_67] : memref<1703936xi32, #tpu.memory_space<hbm>> -> memref<8208xi32, #tpu.memory_space<hbm>>
        %dma_start3A_70 = tpu.memref_slice %arg3[%multiple_of3A_67] : memref<1703936xi32, #tpu.memory_space<hbm>> -> memref<8208xi32, #tpu.memory_space<hbm>>
        tpu.enqueue_dma source(%dma_start3A_70 : memref<8208xi32, #tpu.memory_space<hbm>>) target(%arg10 : memref<8208xi32, #tpu.memory_space<vmem>>) target_semaphore(%arg12 : memref<!tpu.dma_semaphore, #tpu.memory_space<semaphore_mem>>)
        %dma_start3A_71 = tpu.memref_slice %arg4[%multiple_of3A_67] : memref<1703936xf32, #tpu.memory_space<hbm>> -> memref<8208xf32, #tpu.memory_space<hbm>>
        %dma_start3A_72 = tpu.memref_slice %arg4[%multiple_of3A_67] : memref<1703936xf32, #tpu.memory_space<hbm>> -> memref<8208xf32, #tpu.memory_space<hbm>>
        tpu.enqueue_dma source(%dma_start3A_72 : memref<8208xf32, #tpu.memory_space<hbm>>) target(%arg11 : memref<8208xf32, #tpu.memory_space<vmem>>) target_semaphore(%arg12 : memref<!tpu.dma_semaphore, #tpu.memory_space<semaphore_mem>>)
        %dma_wait3A = tpu.memref_slice %arg2[%multiple_of3A_67] : memref<1703936xi32, #tpu.memory_space<hbm>> -> memref<8208xi32, #tpu.memory_space<hbm>>
        %dma_wait3A_73 = tpu.memref_slice %arg2[%multiple_of3A_67] : memref<1703936xi32, #tpu.memory_space<hbm>> -> memref<8208xi32, #tpu.memory_space<hbm>>
        tpu.wait_dma2 semaphore(%arg12 : memref<!tpu.dma_semaphore, #tpu.memory_space<semaphore_mem>>) src(%dma_wait3A_73 : memref<8208xi32, #tpu.memory_space<hbm>>) dst(%arg9 : memref<8208xi32, #tpu.memory_space<vmem>>)
        %dma_wait3A_74 = tpu.memref_slice %arg3[%multiple_of3A_67] : memref<1703936xi32, #tpu.memory_space<hbm>> -> memref<8208xi32, #tpu.memory_space<hbm>>
        %dma_wait3A_75 = tpu.memref_slice %arg3[%multiple_of3A_67] : memref<1703936xi32, #tpu.memory_space<hbm>> -> memref<8208xi32, #tpu.memory_space<hbm>>
        tpu.wait_dma2 semaphore(%arg12 : memref<!tpu.dma_semaphore, #tpu.memory_space<semaphore_mem>>) src(%dma_wait3A_75 : memref<8208xi32, #tpu.memory_space<hbm>>) dst(%arg10 : memref<8208xi32, #tpu.memory_space<vmem>>)
        %dma_wait3A_76 = tpu.memref_slice %arg4[%multiple_of3A_67] : memref<1703936xf32, #tpu.memory_space<hbm>> -> memref<8208xf32, #tpu.memory_space<hbm>>
        %dma_wait3A_77 = tpu.memref_slice %arg4[%multiple_of3A_67] : memref<1703936xf32, #tpu.memory_space<hbm>> -> memref<8208xf32, #tpu.memory_space<hbm>>
        tpu.wait_dma2 semaphore(%arg12 : memref<!tpu.dma_semaphore, #tpu.memory_space<semaphore_mem>>) src(%dma_wait3A_77 : memref<8208xf32, #tpu.memory_space<hbm>>) dst(%arg11 : memref<8208xf32, #tpu.memory_space<vmem>>)
        %sub3A_78 = arith.subi %min3A_31, %mul3A_28 : i32
        %max3A_79 = arith.constant 0 : i32
        %max3A_80 = arith.maxsi %sub3A_78, %max3A_79 : i32
        %add3A_81 = arith.constant 15 : i32
        %add3A_82 = arith.addi %max3A_80, %add3A_81 : i32
        %jit3A_83 = arith.constant 16 : i32
        %div3A_84 = arith.divsi %add3A_82, %jit3A_83 : i32
        %sign3A_85 = arith.constant 0 : i32
        %sign3A_86 = arith.cmpi sgt, %add3A_82, %sign3A_85 : i32
        %sign3A_87 = arith.extui %sign3A_86 : i1 to i32
        %sign3A_88 = arith.constant 0 : i32
        %sign3A_89 = arith.cmpi slt, %add3A_82, %sign3A_88 : i32
        %sign3A_90 = arith.extui %sign3A_89 : i1 to i32
        %sign3A_91 = arith.subi %sign3A_87, %sign3A_90 : i32
        %sign3A_92 = arith.constant 0 : i32
        %sign3A_93 = arith.cmpi sgt, %jit3A_83, %sign3A_92 : i32
        %sign3A_94 = arith.extui %sign3A_93 : i1 to i32
        %sign3A_95 = arith.constant 0 : i32
        %sign3A_96 = arith.cmpi slt, %jit3A_83, %sign3A_95 : i32
        %sign3A_97 = arith.extui %sign3A_96 : i1 to i32
        %sign3A_98 = arith.subi %sign3A_94, %sign3A_97 : i32
        %ne3A_99 = arith.cmpi ne, %sign3A_91, %sign3A_98 : i32
        %rem3A_100 = arith.remsi %add3A_82, %jit3A_83 : i32
        %ne3A_101 = arith.constant 0 : i32
        %ne3A_102 = arith.cmpi ne, %rem3A_100, %ne3A_101 : i32
        %and3A_103 = arith.andi %ne3A_99, %ne3A_102 : i1
        %sub3A_104 = arith.constant 1 : i32
        %sub3A_105 = arith.subi %div3A_84, %sub3A_104 : i32
        %select_n3A_106 = arith.select %and3A_103, %sub3A_105, %div3A_84 : i32
        %sub3A_107 = arith.constant 0 : i32
        %sub3A_108 = arith.subi %select_n3A_106, %sub3A_107 : i32
        %sub3A_109 = arith.constant 1 : i32
        %sub3A_110 = arith.constant 1 : i32
        %sub3A_111 = arith.subi %sub3A_109, %sub3A_110 : i32
        %add3A_112 = arith.addi %sub3A_108, %sub3A_111 : i32
        %div3A_113 = arith.constant 1 : i32
        %div3A_114 = arith.divsi %add3A_112, %div3A_113 : i32
        %while3A = arith.constant 1 : i32
        %while3A_115 = arith.constant 0 : i32
        %while3A_116 = arith.constant 0 : i32
        %while3A_117 = arith.subi %div3A_114, %while3A_116 : i32
        %while3A_118 = arith.addi %while3A_116, %while3A_117 : i32
        %while3A_119 = arith.constant 1 : i32
        %while3A_120 = arith.divsi %while3A_117, %while3A_119 : i32
        %while3A_121 = arith.muli %while3A_120, %while3A_119 : i32
        %while3A_122 = arith.addi %while3A_116, %while3A_121 : i32
        %while3A_123 = arith.constant 1 : i32
        scf.for %while3A_152 = %while3A_116 to %while3A_122 step %while3A_123  : i32 {
          %mul3A_153 = arith.muli %while3A_152, %while3A : i32
          %add3A_154 = arith.addi %while3A_115, %mul3A_153 : i32
          %mul3A_155 = arith.constant 16 : i32
          %mul3A_156 = arith.muli %add3A_154, %mul3A_155 : i32
          %add3A_157 = arith.addi %sub3A_64, %mul3A_156 : i32
          %get3A_158 = arith.index_cast %add3A_157 : i32 to index
          %get3A_159 = tpu.vector_load %arg9[%get3A_158] {strides = array<i32>} : memref<8208xi32, #tpu.memory_space<vmem>>, vector<16xi32>,
          %add3A_160 = arith.addi %sub3A_64, %mul3A_156 : i32
          %get3A_161 = arith.index_cast %add3A_160 : i32 to index
          %get3A_162 = tpu.vector_load %arg10[%get3A_161] {strides = array<i32>} : memref<8208xi32, #tpu.memory_space<vmem>>, vector<16xi32>,
          %add3A_163 = arith.addi %sub3A_64, %mul3A_156 : i32
          %get3A_164 = arith.index_cast %add3A_163 : i32 to index
          %get3A_165 = tpu.vector_load %arg11[%get3A_164] {strides = array<i32>} : memref<8208xf32, #tpu.memory_space<vmem>>, vector<16xf32>,
          %add3A_166 = arith.addi %mul3A_28, %mul3A_156 : i32
          %iota3A = tpu.iota {dimensions = array<i32: 0>} : vector<16xi32>
          %add3A_167 = vector.broadcast %add3A_166 : i32 to vector<16xi32>
          %add3A_168 = arith.addi %add3A_167, %iota3A : vector<16xi32>
          %sub3A_169 = vector.broadcast %mul3A_66 : i32 to vector<16xi32>
          %sub3A_170 = arith.subi %get3A_159, %sub3A_169 : vector<16xi32>
          %lt3A = vector.broadcast %min3A_31 : i32 to vector<16xi32>
          %lt3A_171 = arith.cmpi slt, %add3A_168, %lt3A : vector<16xi32>
          %ge3A = arith.constant 0 : i32
          %ge3A_172 = vector.broadcast %ge3A : i32 to vector<16xi32>
          %ge3A_173 = arith.cmpi sge, %sub3A_170, %ge3A_172 : vector<16xi32>
          %and3A_174 = arith.andi %lt3A_171, %ge3A_173 : vector<16xi1>
          %lt3A_175 = arith.constant 16 : i32
          %lt3A_176 = vector.broadcast %lt3A_175 : i32 to vector<16xi32>
          %lt3A_177 = arith.cmpi slt, %sub3A_170, %lt3A_176 : vector<16xi32>
          %and3A_178 = arith.andi %and3A_174, %lt3A_177 : vector<16xi1>
          tpu.vector_store_idx %arg8[%sub3A_170, %get3A_162], %get3A_165 masked %and3A_178 : memref<16x4096xf32, #tpu.memory_space<vmem>>[vector<16xi32>, vector<16xi32>], vector<16xf32>, vector<16xi1>
        }
        %while3A_124 = arith.constant 1 : i32
        scf.for %while3A_152 = %while3A_122 to %while3A_118 step %while3A_124  : i32 {
          %mul3A_153 = arith.muli %while3A_152, %while3A : i32
          %add3A_154 = arith.addi %while3A_115, %mul3A_153 : i32
          %mul3A_155 = arith.constant 16 : i32
          %mul3A_156 = arith.muli %add3A_154, %mul3A_155 : i32
          %add3A_157 = arith.addi %sub3A_64, %mul3A_156 : i32
          %get3A_158 = arith.index_cast %add3A_157 : i32 to index
          %get3A_159 = tpu.vector_load %arg9[%get3A_158] {strides = array<i32>} : memref<8208xi32, #tpu.memory_space<vmem>>, vector<16xi32>,
          %add3A_160 = arith.addi %sub3A_64, %mul3A_156 : i32
          %get3A_161 = arith.index_cast %add3A_160 : i32 to index
          %get3A_162 = tpu.vector_load %arg10[%get3A_161] {strides = array<i32>} : memref<8208xi32, #tpu.memory_space<vmem>>, vector<16xi32>,
          %add3A_163 = arith.addi %sub3A_64, %mul3A_156 : i32
          %get3A_164 = arith.index_cast %add3A_163 : i32 to index
          %get3A_165 = tpu.vector_load %arg11[%get3A_164] {strides = array<i32>} : memref<8208xf32, #tpu.memory_space<vmem>>, vector<16xf32>,
          %add3A_166 = arith.addi %mul3A_28, %mul3A_156 : i32
          %iota3A = tpu.iota {dimensions = array<i32: 0>} : vector<16xi32>
          %add3A_167 = vector.broadcast %add3A_166 : i32 to vector<16xi32>
          %add3A_168 = arith.addi %add3A_167, %iota3A : vector<16xi32>
          %sub3A_169 = vector.broadcast %mul3A_66 : i32 to vector<16xi32>
          %sub3A_170 = arith.subi %get3A_159, %sub3A_169 : vector<16xi32>
          %lt3A = vector.broadcast %min3A_31 : i32 to vector<16xi32>
          %lt3A_171 = arith.cmpi slt, %add3A_168, %lt3A : vector<16xi32>
          %ge3A = arith.constant 0 : i32
          %ge3A_172 = vector.broadcast %ge3A : i32 to vector<16xi32>
          %ge3A_173 = arith.cmpi sge, %sub3A_170, %ge3A_172 : vector<16xi32>
          %and3A_174 = arith.andi %lt3A_171, %ge3A_173 : vector<16xi1>
          %lt3A_175 = arith.constant 16 : i32
          %lt3A_176 = vector.broadcast %lt3A_175 : i32 to vector<16xi32>
          %lt3A_177 = arith.cmpi slt, %sub3A_170, %lt3A_176 : vector<16xi32>
          %and3A_178 = arith.andi %and3A_174, %lt3A_177 : vector<16xi1>
          tpu.vector_store_idx %arg8[%sub3A_170, %get3A_162], %get3A_165 masked %and3A_178 : memref<16x4096xf32, #tpu.memory_space<vmem>>[vector<16xi32>, vector<16xi32>], vector<16xf32>, vector<16xi1>
        }
        %dma_start3A_125 = arith.constant 0 : i32
        %dma_start3A_126 = tpu.memref_slice %arg6[%multiple_of3A, %dma_start3A_125] : memref<4096x4096xf32, #tpu.memory_space<hbm>> -> memref<16x4096xf32, #tpu.memory_space<hbm>>
        %dma_start3A_127 = arith.constant 0 : i32
        %dma_start3A_128 = tpu.memref_slice %arg6[%multiple_of3A, %dma_start3A_127] : memref<4096x4096xf32, #tpu.memory_space<hbm>> -> memref<16x4096xf32, #tpu.memory_space<hbm>>
        tpu.enqueue_dma source(%arg8 : memref<16x4096xf32, #tpu.memory_space<vmem>>) target(%dma_start3A_128 : memref<16x4096xf32, #tpu.memory_space<hbm>>) target_semaphore(%arg13 : memref<!tpu.dma_semaphore, #tpu.memory_space<semaphore_mem>>)
        %dma_wait3A_129 = arith.constant 0 : i32
        %dma_wait3A_130 = tpu.memref_slice %arg6[%multiple_of3A, %dma_wait3A_129] : memref<4096x4096xf32, #tpu.memory_space<hbm>> -> memref<16x4096xf32, #tpu.memory_space<hbm>>
        %dma_wait3A_131 = arith.constant 0 : i32
        %dma_wait3A_132 = tpu.memref_slice %arg6[%multiple_of3A, %dma_wait3A_131] : memref<4096x4096xf32, #tpu.memory_space<hbm>> -> memref<16x4096xf32, #tpu.memory_space<hbm>>
        tpu.wait_dma2 semaphore(%arg13 : memref<!tpu.dma_semaphore, #tpu.memory_space<semaphore_mem>>) src(%arg8 : memref<16x4096xf32, #tpu.memory_space<vmem>>) dst(%dma_wait3A_132 : memref<16x4096xf32, #tpu.memory_space<hbm>>)
        %sub3A_133 = arith.constant 0 : i32
        %sub3A_134 = arith.subi %select_n3A_106, %sub3A_133 : i32
        %sub3A_135 = arith.constant 1 : i32
        %sub3A_136 = arith.constant 1 : i32
        %sub3A_137 = arith.subi %sub3A_135, %sub3A_136 : i32
        %add3A_138 = arith.addi %sub3A_134, %sub3A_137 : i32
        %div3A_139 = arith.constant 1 : i32
        %div3A_140 = arith.divsi %add3A_138, %div3A_139 : i32
        %while3A_141 = arith.constant 1 : i32
        %while3A_142 = arith.constant 0 : i32
        %while3A_143 = arith.constant 0 : i32
        %while3A_144 = arith.subi %div3A_140, %while3A_143 : i32
        %while3A_145 = arith.addi %while3A_143, %while3A_144 : i32
        %while3A_146 = arith.constant 1 : i32
        %while3A_147 = arith.divsi %while3A_144, %while3A_146 : i32
        %while3A_148 = arith.muli %while3A_147, %while3A_146 : i32
        %while3A_149 = arith.addi %while3A_143, %while3A_148 : i32
        %while3A_150 = arith.constant 1 : i32
        scf.for %while3A_152 = %while3A_143 to %while3A_149 step %while3A_150  : i32 {
          %mul3A_153 = arith.muli %while3A_152, %while3A_141 : i32
          %add3A_154 = arith.addi %while3A_142, %mul3A_153 : i32
          %mul3A_155 = arith.constant 16 : i32
          %mul3A_156 = arith.muli %add3A_154, %mul3A_155 : i32
          %add3A_157 = arith.addi %sub3A_64, %mul3A_156 : i32
          %get3A_158 = arith.index_cast %add3A_157 : i32 to index
          %get3A_159 = tpu.vector_load %arg9[%get3A_158] {strides = array<i32>} : memref<8208xi32, #tpu.memory_space<vmem>>, vector<16xi32>,
          %add3A_160 = arith.addi %sub3A_64, %mul3A_156 : i32
          %get3A_161 = arith.index_cast %add3A_160 : i32 to index
          %get3A_162 = tpu.vector_load %arg10[%get3A_161] {strides = array<i32>} : memref<8208xi32, #tpu.memory_space<vmem>>, vector<16xi32>,
          %add3A_163 = arith.addi %mul3A_28, %mul3A_156 : i32
          %iota3A = tpu.iota {dimensions = array<i32: 0>} : vector<16xi32>
          %add3A_164 = vector.broadcast %add3A_163 : i32 to vector<16xi32>
          %add3A_165 = arith.addi %add3A_164, %iota3A : vector<16xi32>
          %sub3A_166 = vector.broadcast %mul3A_66 : i32 to vector<16xi32>
          %sub3A_167 = arith.subi %get3A_159, %sub3A_166 : vector<16xi32>
          %lt3A = vector.broadcast %min3A_31 : i32 to vector<16xi32>
          %lt3A_168 = arith.cmpi slt, %add3A_165, %lt3A : vector<16xi32>
          %ge3A = arith.constant 0 : i32
          %ge3A_169 = vector.broadcast %ge3A : i32 to vector<16xi32>
          %ge3A_170 = arith.cmpi sge, %sub3A_167, %ge3A_169 : vector<16xi32>
          %and3A_171 = arith.andi %lt3A_168, %ge3A_170 : vector<16xi1>
          %lt3A_172 = arith.constant 16 : i32
          %lt3A_173 = vector.broadcast %lt3A_172 : i32 to vector<16xi32>
          %lt3A_174 = arith.cmpi slt, %sub3A_167, %lt3A_173 : vector<16xi32>
          %and3A_175 = arith.andi %and3A_171, %lt3A_174 : vector<16xi1>
          %broadcast_in_dim3A = arith.constant 0.000000e+00 : f32
          %broadcast_in_dim3A_176 = vector.broadcast %broadcast_in_dim3A : f32 to vector<16xf32>
          tpu.vector_store_idx %arg8[%sub3A_167, %get3A_162], %broadcast_in_dim3A_176 masked %and3A_175 : memref<16x4096xf32, #tpu.memory_space<vmem>>[vector<16xi32>, vector<16xi32>], vector<16xf32>, vector<16xi1>
        }
        %while3A_151 = arith.constant 1 : i32
        scf.for %while3A_152 = %while3A_149 to %while3A_145 step %while3A_151  : i32 {
          %mul3A_153 = arith.muli %while3A_152, %while3A_141 : i32
          %add3A_154 = arith.addi %while3A_142, %mul3A_153 : i32
          %mul3A_155 = arith.constant 16 : i32
          %mul3A_156 = arith.muli %add3A_154, %mul3A_155 : i32
          %add3A_157 = arith.addi %sub3A_64, %mul3A_156 : i32
          %get3A_158 = arith.index_cast %add3A_157 : i32 to index
          %get3A_159 = tpu.vector_load %arg9[%get3A_158] {strides = array<i32>} : memref<8208xi32, #tpu.memory_space<vmem>>, vector<16xi32>,
          %add3A_160 = arith.addi %sub3A_64, %mul3A_156 : i32
          %get3A_161 = arith.index_cast %add3A_160 : i32 to index
          %get3A_162 = tpu.vector_load %arg10[%get3A_161] {strides = array<i32>} : memref<8208xi32, #tpu.memory_space<vmem>>, vector<16xi32>,
          %add3A_163 = arith.addi %mul3A_28, %mul3A_156 : i32
          %iota3A = tpu.iota {dimensions = array<i32: 0>} : vector<16xi32>
          %add3A_164 = vector.broadcast %add3A_163 : i32 to vector<16xi32>
          %add3A_165 = arith.addi %add3A_164, %iota3A : vector<16xi32>
          %sub3A_166 = vector.broadcast %mul3A_66 : i32 to vector<16xi32>
          %sub3A_167 = arith.subi %get3A_159, %sub3A_166 : vector<16xi32>
          %lt3A = vector.broadcast %min3A_31 : i32 to vector<16xi32>
          %lt3A_168 = arith.cmpi slt, %add3A_165, %lt3A : vector<16xi32>
          %ge3A = arith.constant 0 : i32
          %ge3A_169 = vector.broadcast %ge3A : i32 to vector<16xi32>
          %ge3A_170 = arith.cmpi sge, %sub3A_167, %ge3A_169 : vector<16xi32>
          %and3A_171 = arith.andi %lt3A_168, %ge3A_170 : vector<16xi1>
          %lt3A_172 = arith.constant 16 : i32
          %lt3A_173 = vector.broadcast %lt3A_172 : i32 to vector<16xi32>
          %lt3A_174 = arith.cmpi slt, %sub3A_167, %lt3A_173 : vector<16xi32>
          %and3A_175 = arith.andi %and3A_171, %lt3A_174 : vector<16xi1>
          %broadcast_in_dim3A = arith.constant 0.000000e+00 : f32
          %broadcast_in_dim3A_176 = vector.broadcast %broadcast_in_dim3A : f32 to vector<16xf32>
          tpu.vector_store_idx %arg8[%sub3A_167, %get3A_162], %broadcast_in_dim3A_176 masked %and3A_175 : memref<16x4096xf32, #tpu.memory_space<vmem>>[vector<16xi32>, vector<16xi32>], vector<16xf32>, vector<16xi1>
        }
      } else {
      }
      %gt3A = arith.constant 1 : i32
      %gt3A_58 = arith.cmpi sgt, %select_n3A, %gt3A : i32
      %convert_element_type3A_59 = arith.extui %gt3A_58 : i1 to i32
      %cond3A_60 = arith.constant 0 : i32
      %cond3A_61 = arith.cmpi ne, %convert_element_type3A_59, %cond3A_60 : i32
      scf.if %cond3A_61 {
        "tpu.trace_start"() <{level = 10 : i32, message = "sc_scatter"}> : () -> ()
        %and3A_62 = arith.constant -8 : i32
        %and3A_63 = arith.andi %mul3A_28, %and3A_62 : i32
        %sub3A_64 = arith.subi %mul3A_28, %and3A_63 : i32
        %mul3A_65 = arith.constant 16 : i32
        %mul3A_66 = arith.muli %add3A_17, %mul3A_65 : i32
        %sub3A_67 = arith.subi %min3A_31, %mul3A_28 : i32
        %add3A_68 = arith.constant 8192 : i32
        %add3A_69 = arith.addi %sub3A_67, %add3A_68 : i32
        %sub3A_70 = arith.constant 1 : i32
        %sub3A_71 = arith.subi %add3A_69, %sub3A_70 : i32
        %jit3A_72 = arith.constant 8192 : i32
        %div3A_73 = arith.divsi %sub3A_71, %jit3A_72 : i32
        %sign3A_74 = arith.constant 0 : i32
        %sign3A_75 = arith.cmpi sgt, %sub3A_71, %sign3A_74 : i32
        %sign3A_76 = arith.extui %sign3A_75 : i1 to i32
        %sign3A_77 = arith.constant 0 : i32
        %sign3A_78 = arith.cmpi slt, %sub3A_71, %sign3A_77 : i32
        %sign3A_79 = arith.extui %sign3A_78 : i1 to i32
        %sign3A_80 = arith.subi %sign3A_76, %sign3A_79 : i32
        %sign3A_81 = arith.constant 0 : i32
        %sign3A_82 = arith.cmpi sgt, %jit3A_72, %sign3A_81 : i32
        %sign3A_83 = arith.extui %sign3A_82 : i1 to i32
        %sign3A_84 = arith.constant 0 : i32
        %sign3A_85 = arith.cmpi slt, %jit3A_72, %sign3A_84 : i32
        %sign3A_86 = arith.extui %sign3A_85 : i1 to i32
        %sign3A_87 = arith.subi %sign3A_83, %sign3A_86 : i32
        %ne3A_88 = arith.cmpi ne, %sign3A_80, %sign3A_87 : i32
        %rem3A_89 = arith.remsi %sub3A_71, %jit3A_72 : i32
        %ne3A_90 = arith.constant 0 : i32
        %ne3A_91 = arith.cmpi ne, %rem3A_89, %ne3A_90 : i32
        %and3A_92 = arith.andi %ne3A_88, %ne3A_91 : i1
        %sub3A_93 = arith.constant 1 : i32
        %sub3A_94 = arith.subi %div3A_73, %sub3A_93 : i32
        %select_n3A_95 = arith.select %and3A_92, %sub3A_94, %div3A_73 : i32
        %while3A = arith.constant 0 : i32
        %while3A_96 = arith.constant 0 : i32
        %while3A_97 = arith.subi %select_n3A_95, %while3A_96 : i32
        %while3A_98 = arith.addi %while3A_96, %while3A_97 : i32
        %while3A_99 = arith.constant 1 : i32
        %while3A_100 = arith.divsi %while3A_97, %while3A_99 : i32
        %while3A_101 = arith.muli %while3A_100, %while3A_99 : i32
        %while3A_102 = arith.addi %while3A_96, %while3A_101 : i32
        %while3A_103 = arith.constant 1 : i32
        scf.for %while3A_155 = %while3A_96 to %while3A_102 step %while3A_103  : i32 {
          %mul3A_156 = arith.constant 8192 : i32
          %mul3A_157 = arith.muli %while3A_155, %mul3A_156 : i32
          %add3A_158 = arith.addi %and3A_63, %mul3A_157 : i32
          %multiple_of3A_159 = tpu.assume_multiple %add3A_158, 8 : i32
          %dma_start3A_160 = tpu.memref_slice %arg2[%multiple_of3A_159] : memref<1703936xi32, #tpu.memory_space<hbm>> -> memref<8208xi32, #tpu.memory_space<hbm>>
          %dma_start3A_161 = tpu.memref_slice %arg2[%multiple_of3A_159] : memref<1703936xi32, #tpu.memory_space<hbm>> -> memref<8208xi32, #tpu.memory_space<hbm>>
          tpu.enqueue_dma source(%dma_start3A_161 : memref<8208xi32, #tpu.memory_space<hbm>>) target(%arg9 : memref<8208xi32, #tpu.memory_space<vmem>>) target_semaphore(%arg12 : memref<!tpu.dma_semaphore, #tpu.memory_space<semaphore_mem>>)
          %dma_start3A_162 = tpu.memref_slice %arg3[%multiple_of3A_159] : memref<1703936xi32, #tpu.memory_space<hbm>> -> memref<8208xi32, #tpu.memory_space<hbm>>
          %dma_start3A_163 = tpu.memref_slice %arg3[%multiple_of3A_159] : memref<1703936xi32, #tpu.memory_space<hbm>> -> memref<8208xi32, #tpu.memory_space<hbm>>
          tpu.enqueue_dma source(%dma_start3A_163 : memref<8208xi32, #tpu.memory_space<hbm>>) target(%arg10 : memref<8208xi32, #tpu.memory_space<vmem>>) target_semaphore(%arg12 : memref<!tpu.dma_semaphore, #tpu.memory_space<semaphore_mem>>)
          %dma_start3A_164 = tpu.memref_slice %arg4[%multiple_of3A_159] : memref<1703936xf32, #tpu.memory_space<hbm>> -> memref<8208xf32, #tpu.memory_space<hbm>>
          %dma_start3A_165 = tpu.memref_slice %arg4[%multiple_of3A_159] : memref<1703936xf32, #tpu.memory_space<hbm>> -> memref<8208xf32, #tpu.memory_space<hbm>>
          tpu.enqueue_dma source(%dma_start3A_165 : memref<8208xf32, #tpu.memory_space<hbm>>) target(%arg11 : memref<8208xf32, #tpu.memory_space<vmem>>) target_semaphore(%arg12 : memref<!tpu.dma_semaphore, #tpu.memory_space<semaphore_mem>>)
          %dma_wait3A_166 = tpu.memref_slice %arg2[%multiple_of3A_159] : memref<1703936xi32, #tpu.memory_space<hbm>> -> memref<8208xi32, #tpu.memory_space<hbm>>
          %dma_wait3A_167 = tpu.memref_slice %arg2[%multiple_of3A_159] : memref<1703936xi32, #tpu.memory_space<hbm>> -> memref<8208xi32, #tpu.memory_space<hbm>>
          tpu.wait_dma2 semaphore(%arg12 : memref<!tpu.dma_semaphore, #tpu.memory_space<semaphore_mem>>) src(%dma_wait3A_167 : memref<8208xi32, #tpu.memory_space<hbm>>) dst(%arg9 : memref<8208xi32, #tpu.memory_space<vmem>>)
          %dma_wait3A_168 = tpu.memref_slice %arg3[%multiple_of3A_159] : memref<1703936xi32, #tpu.memory_space<hbm>> -> memref<8208xi32, #tpu.memory_space<hbm>>
          %dma_wait3A_169 = tpu.memref_slice %arg3[%multiple_of3A_159] : memref<1703936xi32, #tpu.memory_space<hbm>> -> memref<8208xi32, #tpu.memory_space<hbm>>
          tpu.wait_dma2 semaphore(%arg12 : memref<!tpu.dma_semaphore, #tpu.memory_space<semaphore_mem>>) src(%dma_wait3A_169 : memref<8208xi32, #tpu.memory_space<hbm>>) dst(%arg10 : memref<8208xi32, #tpu.memory_space<vmem>>)
          %dma_wait3A_170 = tpu.memref_slice %arg4[%multiple_of3A_159] : memref<1703936xf32, #tpu.memory_space<hbm>> -> memref<8208xf32, #tpu.memory_space<hbm>>
          %dma_wait3A_171 = tpu.memref_slice %arg4[%multiple_of3A_159] : memref<1703936xf32, #tpu.memory_space<hbm>> -> memref<8208xf32, #tpu.memory_space<hbm>>
          tpu.wait_dma2 semaphore(%arg12 : memref<!tpu.dma_semaphore, #tpu.memory_space<semaphore_mem>>) src(%dma_wait3A_171 : memref<8208xf32, #tpu.memory_space<hbm>>) dst(%arg11 : memref<8208xf32, #tpu.memory_space<vmem>>)
          %sub3A_172 = arith.subi %min3A_31, %mul3A_28 : i32
          %mul3A_173 = arith.constant 8192 : i32
          %mul3A_174 = arith.muli %while3A_155, %mul3A_173 : i32
          %sub3A_175 = arith.subi %sub3A_172, %mul3A_174 : i32
          %min3A_176 = arith.constant 8192 : i32
          %min3A_177 = arith.minsi %sub3A_175, %min3A_176 : i32
          %add3A_178 = arith.constant 15 : i32
          %add3A_179 = arith.addi %min3A_177, %add3A_178 : i32
          %jit3A_180 = arith.constant 16 : i32
          %div3A_181 = arith.divsi %add3A_179, %jit3A_180 : i32
          %sign3A_182 = arith.constant 0 : i32
          %sign3A_183 = arith.cmpi sgt, %add3A_179, %sign3A_182 : i32
          %sign3A_184 = arith.extui %sign3A_183 : i1 to i32
          %sign3A_185 = arith.constant 0 : i32
          %sign3A_186 = arith.cmpi slt, %add3A_179, %sign3A_185 : i32
          %sign3A_187 = arith.extui %sign3A_186 : i1 to i32
          %sign3A_188 = arith.subi %sign3A_184, %sign3A_187 : i32
          %sign3A_189 = arith.constant 0 : i32
          %sign3A_190 = arith.cmpi sgt, %jit3A_180, %sign3A_189 : i32
          %sign3A_191 = arith.extui %sign3A_190 : i1 to i32
          %sign3A_192 = arith.constant 0 : i32
          %sign3A_193 = arith.cmpi slt, %jit3A_180, %sign3A_192 : i32
          %sign3A_194 = arith.extui %sign3A_193 : i1 to i32
          %sign3A_195 = arith.subi %sign3A_191, %sign3A_194 : i32
          %ne3A_196 = arith.cmpi ne, %sign3A_188, %sign3A_195 : i32
          %rem3A_197 = arith.remsi %add3A_179, %jit3A_180 : i32
          %ne3A_198 = arith.constant 0 : i32
          %ne3A_199 = arith.cmpi ne, %rem3A_197, %ne3A_198 : i32
          %and3A_200 = arith.andi %ne3A_196, %ne3A_199 : i1
          %sub3A_201 = arith.constant 1 : i32
          %sub3A_202 = arith.subi %div3A_181, %sub3A_201 : i32
          %select_n3A_203 = arith.select %and3A_200, %sub3A_202, %div3A_181 : i32
          %mul3A_204 = arith.constant 8192 : i32
          %mul3A_205 = arith.muli %while3A_155, %mul3A_204 : i32
          %add3A_206 = arith.addi %mul3A_28, %mul3A_205 : i32
          %sub3A_207 = arith.constant 0 : i32
          %sub3A_208 = arith.subi %select_n3A_203, %sub3A_207 : i32
          %sub3A_209 = arith.constant 1 : i32
          %sub3A_210 = arith.constant 1 : i32
          %sub3A_211 = arith.subi %sub3A_209, %sub3A_210 : i32
          %add3A_212 = arith.addi %sub3A_208, %sub3A_211 : i32
          %div3A_213 = arith.constant 1 : i32
          %div3A_214 = arith.divsi %add3A_212, %div3A_213 : i32
          %while3A_215 = arith.constant 1 : i32
          %while3A_216 = arith.constant 0 : i32
          %while3A_217 = arith.constant 0 : i32
          %while3A_218 = arith.subi %div3A_214, %while3A_217 : i32
          %while3A_219 = arith.addi %while3A_217, %while3A_218 : i32
          %while3A_220 = arith.constant 1 : i32
          %while3A_221 = arith.divsi %while3A_218, %while3A_220 : i32
          %while3A_222 = arith.muli %while3A_221, %while3A_220 : i32
          %while3A_223 = arith.addi %while3A_217, %while3A_222 : i32
          %while3A_224 = arith.constant 1 : i32
          scf.for %while3A_226 = %while3A_217 to %while3A_223 step %while3A_224  : i32 {
            %mul3A_227 = arith.muli %while3A_226, %while3A_215 : i32
            %add3A_228 = arith.addi %while3A_216, %mul3A_227 : i32
            %mul3A_229 = arith.constant 16 : i32
            %mul3A_230 = arith.muli %add3A_228, %mul3A_229 : i32
            %add3A_231 = arith.addi %sub3A_64, %mul3A_230 : i32
            %get3A_232 = arith.index_cast %add3A_231 : i32 to index
            %get3A_233 = tpu.vector_load %arg9[%get3A_232] {strides = array<i32>} : memref<8208xi32, #tpu.memory_space<vmem>>, vector<16xi32>,
            %add3A_234 = arith.addi %sub3A_64, %mul3A_230 : i32
            %get3A_235 = arith.index_cast %add3A_234 : i32 to index
            %get3A_236 = tpu.vector_load %arg10[%get3A_235] {strides = array<i32>} : memref<8208xi32, #tpu.memory_space<vmem>>, vector<16xi32>,
            %add3A_237 = arith.addi %sub3A_64, %mul3A_230 : i32
            %get3A_238 = arith.index_cast %add3A_237 : i32 to index
            %get3A_239 = tpu.vector_load %arg11[%get3A_238] {strides = array<i32>} : memref<8208xf32, #tpu.memory_space<vmem>>, vector<16xf32>,
            %add3A_240 = arith.addi %add3A_206, %mul3A_230 : i32
            %iota3A = tpu.iota {dimensions = array<i32: 0>} : vector<16xi32>
            %add3A_241 = vector.broadcast %add3A_240 : i32 to vector<16xi32>
            %add3A_242 = arith.addi %add3A_241, %iota3A : vector<16xi32>
            %sub3A_243 = vector.broadcast %mul3A_66 : i32 to vector<16xi32>
            %sub3A_244 = arith.subi %get3A_233, %sub3A_243 : vector<16xi32>
            %lt3A = vector.broadcast %min3A_31 : i32 to vector<16xi32>
            %lt3A_245 = arith.cmpi slt, %add3A_242, %lt3A : vector<16xi32>
            %ge3A = arith.constant 0 : i32
            %ge3A_246 = vector.broadcast %ge3A : i32 to vector<16xi32>
            %ge3A_247 = arith.cmpi sge, %sub3A_244, %ge3A_246 : vector<16xi32>
            %and3A_248 = arith.andi %lt3A_245, %ge3A_247 : vector<16xi1>
            %lt3A_249 = arith.constant 16 : i32
            %lt3A_250 = vector.broadcast %lt3A_249 : i32 to vector<16xi32>
            %lt3A_251 = arith.cmpi slt, %sub3A_244, %lt3A_250 : vector<16xi32>
            %and3A_252 = arith.andi %and3A_248, %lt3A_251 : vector<16xi1>
            tpu.vector_store_idx %arg8[%sub3A_244, %get3A_236], %get3A_239 masked %and3A_252 : memref<16x4096xf32, #tpu.memory_space<vmem>>[vector<16xi32>, vector<16xi32>], vector<16xf32>, vector<16xi1>
          }
          %while3A_225 = arith.constant 1 : i32
          scf.for %while3A_226 = %while3A_223 to %while3A_219 step %while3A_225  : i32 {
            %mul3A_227 = arith.muli %while3A_226, %while3A_215 : i32
            %add3A_228 = arith.addi %while3A_216, %mul3A_227 : i32
            %mul3A_229 = arith.constant 16 : i32
            %mul3A_230 = arith.muli %add3A_228, %mul3A_229 : i32
            %add3A_231 = arith.addi %sub3A_64, %mul3A_230 : i32
            %get3A_232 = arith.index_cast %add3A_231 : i32 to index
            %get3A_233 = tpu.vector_load %arg9[%get3A_232] {strides = array<i32>} : memref<8208xi32, #tpu.memory_space<vmem>>, vector<16xi32>,
            %add3A_234 = arith.addi %sub3A_64, %mul3A_230 : i32
            %get3A_235 = arith.index_cast %add3A_234 : i32 to index
            %get3A_236 = tpu.vector_load %arg10[%get3A_235] {strides = array<i32>} : memref<8208xi32, #tpu.memory_space<vmem>>, vector<16xi32>,
            %add3A_237 = arith.addi %sub3A_64, %mul3A_230 : i32
            %get3A_238 = arith.index_cast %add3A_237 : i32 to index
            %get3A_239 = tpu.vector_load %arg11[%get3A_238] {strides = array<i32>} : memref<8208xf32, #tpu.memory_space<vmem>>, vector<16xf32>,
            %add3A_240 = arith.addi %add3A_206, %mul3A_230 : i32
            %iota3A = tpu.iota {dimensions = array<i32: 0>} : vector<16xi32>
            %add3A_241 = vector.broadcast %add3A_240 : i32 to vector<16xi32>
            %add3A_242 = arith.addi %add3A_241, %iota3A : vector<16xi32>
            %sub3A_243 = vector.broadcast %mul3A_66 : i32 to vector<16xi32>
            %sub3A_244 = arith.subi %get3A_233, %sub3A_243 : vector<16xi32>
            %lt3A = vector.broadcast %min3A_31 : i32 to vector<16xi32>
            %lt3A_245 = arith.cmpi slt, %add3A_242, %lt3A : vector<16xi32>
            %ge3A = arith.constant 0 : i32
            %ge3A_246 = vector.broadcast %ge3A : i32 to vector<16xi32>
            %ge3A_247 = arith.cmpi sge, %sub3A_244, %ge3A_246 : vector<16xi32>
            %and3A_248 = arith.andi %lt3A_245, %ge3A_247 : vector<16xi1>
            %lt3A_249 = arith.constant 16 : i32
            %lt3A_250 = vector.broadcast %lt3A_249 : i32 to vector<16xi32>
            %lt3A_251 = arith.cmpi slt, %sub3A_244, %lt3A_250 : vector<16xi32>
            %and3A_252 = arith.andi %and3A_248, %lt3A_251 : vector<16xi1>
            tpu.vector_store_idx %arg8[%sub3A_244, %get3A_236], %get3A_239 masked %and3A_252 : memref<16x4096xf32, #tpu.memory_space<vmem>>[vector<16xi32>, vector<16xi32>], vector<16xf32>, vector<16xi1>
          }
        }
        %while3A_104 = arith.constant 1 : i32
        scf.for %while3A_155 = %while3A_102 to %while3A_98 step %while3A_104  : i32 {
          %mul3A_156 = arith.constant 8192 : i32
          %mul3A_157 = arith.muli %while3A_155, %mul3A_156 : i32
          %add3A_158 = arith.addi %and3A_63, %mul3A_157 : i32
          %multiple_of3A_159 = tpu.assume_multiple %add3A_158, 8 : i32
          %dma_start3A_160 = tpu.memref_slice %arg2[%multiple_of3A_159] : memref<1703936xi32, #tpu.memory_space<hbm>> -> memref<8208xi32, #tpu.memory_space<hbm>>
          %dma_start3A_161 = tpu.memref_slice %arg2[%multiple_of3A_159] : memref<1703936xi32, #tpu.memory_space<hbm>> -> memref<8208xi32, #tpu.memory_space<hbm>>
          tpu.enqueue_dma source(%dma_start3A_161 : memref<8208xi32, #tpu.memory_space<hbm>>) target(%arg9 : memref<8208xi32, #tpu.memory_space<vmem>>) target_semaphore(%arg12 : memref<!tpu.dma_semaphore, #tpu.memory_space<semaphore_mem>>)
          %dma_start3A_162 = tpu.memref_slice %arg3[%multiple_of3A_159] : memref<1703936xi32, #tpu.memory_space<hbm>> -> memref<8208xi32, #tpu.memory_space<hbm>>
          %dma_start3A_163 = tpu.memref_slice %arg3[%multiple_of3A_159] : memref<1703936xi32, #tpu.memory_space<hbm>> -> memref<8208xi32, #tpu.memory_space<hbm>>
          tpu.enqueue_dma source(%dma_start3A_163 : memref<8208xi32, #tpu.memory_space<hbm>>) target(%arg10 : memref<8208xi32, #tpu.memory_space<vmem>>) target_semaphore(%arg12 : memref<!tpu.dma_semaphore, #tpu.memory_space<semaphore_mem>>)
          %dma_start3A_164 = tpu.memref_slice %arg4[%multiple_of3A_159] : memref<1703936xf32, #tpu.memory_space<hbm>> -> memref<8208xf32, #tpu.memory_space<hbm>>
          %dma_start3A_165 = tpu.memref_slice %arg4[%multiple_of3A_159] : memref<1703936xf32, #tpu.memory_space<hbm>> -> memref<8208xf32, #tpu.memory_space<hbm>>
          tpu.enqueue_dma source(%dma_start3A_165 : memref<8208xf32, #tpu.memory_space<hbm>>) target(%arg11 : memref<8208xf32, #tpu.memory_space<vmem>>) target_semaphore(%arg12 : memref<!tpu.dma_semaphore, #tpu.memory_space<semaphore_mem>>)
          %dma_wait3A_166 = tpu.memref_slice %arg2[%multiple_of3A_159] : memref<1703936xi32, #tpu.memory_space<hbm>> -> memref<8208xi32, #tpu.memory_space<hbm>>
          %dma_wait3A_167 = tpu.memref_slice %arg2[%multiple_of3A_159] : memref<1703936xi32, #tpu.memory_space<hbm>> -> memref<8208xi32, #tpu.memory_space<hbm>>
          tpu.wait_dma2 semaphore(%arg12 : memref<!tpu.dma_semaphore, #tpu.memory_space<semaphore_mem>>) src(%dma_wait3A_167 : memref<8208xi32, #tpu.memory_space<hbm>>) dst(%arg9 : memref<8208xi32, #tpu.memory_space<vmem>>)
          %dma_wait3A_168 = tpu.memref_slice %arg3[%multiple_of3A_159] : memref<1703936xi32, #tpu.memory_space<hbm>> -> memref<8208xi32, #tpu.memory_space<hbm>>
          %dma_wait3A_169 = tpu.memref_slice %arg3[%multiple_of3A_159] : memref<1703936xi32, #tpu.memory_space<hbm>> -> memref<8208xi32, #tpu.memory_space<hbm>>
          tpu.wait_dma2 semaphore(%arg12 : memref<!tpu.dma_semaphore, #tpu.memory_space<semaphore_mem>>) src(%dma_wait3A_169 : memref<8208xi32, #tpu.memory_space<hbm>>) dst(%arg10 : memref<8208xi32, #tpu.memory_space<vmem>>)
          %dma_wait3A_170 = tpu.memref_slice %arg4[%multiple_of3A_159] : memref<1703936xf32, #tpu.memory_space<hbm>> -> memref<8208xf32, #tpu.memory_space<hbm>>
          %dma_wait3A_171 = tpu.memref_slice %arg4[%multiple_of3A_159] : memref<1703936xf32, #tpu.memory_space<hbm>> -> memref<8208xf32, #tpu.memory_space<hbm>>
          tpu.wait_dma2 semaphore(%arg12 : memref<!tpu.dma_semaphore, #tpu.memory_space<semaphore_mem>>) src(%dma_wait3A_171 : memref<8208xf32, #tpu.memory_space<hbm>>) dst(%arg11 : memref<8208xf32, #tpu.memory_space<vmem>>)
          %sub3A_172 = arith.subi %min3A_31, %mul3A_28 : i32
          %mul3A_173 = arith.constant 8192 : i32
          %mul3A_174 = arith.muli %while3A_155, %mul3A_173 : i32
          %sub3A_175 = arith.subi %sub3A_172, %mul3A_174 : i32
          %min3A_176 = arith.constant 8192 : i32
          %min3A_177 = arith.minsi %sub3A_175, %min3A_176 : i32
          %add3A_178 = arith.constant 15 : i32
          %add3A_179 = arith.addi %min3A_177, %add3A_178 : i32
          %jit3A_180 = arith.constant 16 : i32
          %div3A_181 = arith.divsi %add3A_179, %jit3A_180 : i32
          %sign3A_182 = arith.constant 0 : i32
          %sign3A_183 = arith.cmpi sgt, %add3A_179, %sign3A_182 : i32
          %sign3A_184 = arith.extui %sign3A_183 : i1 to i32
          %sign3A_185 = arith.constant 0 : i32
          %sign3A_186 = arith.cmpi slt, %add3A_179, %sign3A_185 : i32
          %sign3A_187 = arith.extui %sign3A_186 : i1 to i32
          %sign3A_188 = arith.subi %sign3A_184, %sign3A_187 : i32
          %sign3A_189 = arith.constant 0 : i32
          %sign3A_190 = arith.cmpi sgt, %jit3A_180, %sign3A_189 : i32
          %sign3A_191 = arith.extui %sign3A_190 : i1 to i32
          %sign3A_192 = arith.constant 0 : i32
          %sign3A_193 = arith.cmpi slt, %jit3A_180, %sign3A_192 : i32
          %sign3A_194 = arith.extui %sign3A_193 : i1 to i32
          %sign3A_195 = arith.subi %sign3A_191, %sign3A_194 : i32
          %ne3A_196 = arith.cmpi ne, %sign3A_188, %sign3A_195 : i32
          %rem3A_197 = arith.remsi %add3A_179, %jit3A_180 : i32
          %ne3A_198 = arith.constant 0 : i32
          %ne3A_199 = arith.cmpi ne, %rem3A_197, %ne3A_198 : i32
          %and3A_200 = arith.andi %ne3A_196, %ne3A_199 : i1
          %sub3A_201 = arith.constant 1 : i32
          %sub3A_202 = arith.subi %div3A_181, %sub3A_201 : i32
          %select_n3A_203 = arith.select %and3A_200, %sub3A_202, %div3A_181 : i32
          %mul3A_204 = arith.constant 8192 : i32
          %mul3A_205 = arith.muli %while3A_155, %mul3A_204 : i32
          %add3A_206 = arith.addi %mul3A_28, %mul3A_205 : i32
          %sub3A_207 = arith.constant 0 : i32
          %sub3A_208 = arith.subi %select_n3A_203, %sub3A_207 : i32
          %sub3A_209 = arith.constant 1 : i32
          %sub3A_210 = arith.constant 1 : i32
          %sub3A_211 = arith.subi %sub3A_209, %sub3A_210 : i32
          %add3A_212 = arith.addi %sub3A_208, %sub3A_211 : i32
          %div3A_213 = arith.constant 1 : i32
          %div3A_214 = arith.divsi %add3A_212, %div3A_213 : i32
          %while3A_215 = arith.constant 1 : i32
          %while3A_216 = arith.constant 0 : i32
          %while3A_217 = arith.constant 0 : i32
          %while3A_218 = arith.subi %div3A_214, %while3A_217 : i32
          %while3A_219 = arith.addi %while3A_217, %while3A_218 : i32
          %while3A_220 = arith.constant 1 : i32
          %while3A_221 = arith.divsi %while3A_218, %while3A_220 : i32
          %while3A_222 = arith.muli %while3A_221, %while3A_220 : i32
          %while3A_223 = arith.addi %while3A_217, %while3A_222 : i32
          %while3A_224 = arith.constant 1 : i32
          scf.for %while3A_226 = %while3A_217 to %while3A_223 step %while3A_224  : i32 {
            %mul3A_227 = arith.muli %while3A_226, %while3A_215 : i32
            %add3A_228 = arith.addi %while3A_216, %mul3A_227 : i32
            %mul3A_229 = arith.constant 16 : i32
            %mul3A_230 = arith.muli %add3A_228, %mul3A_229 : i32
            %add3A_231 = arith.addi %sub3A_64, %mul3A_230 : i32
            %get3A_232 = arith.index_cast %add3A_231 : i32 to index
            %get3A_233 = tpu.vector_load %arg9[%get3A_232] {strides = array<i32>} : memref<8208xi32, #tpu.memory_space<vmem>>, vector<16xi32>,
            %add3A_234 = arith.addi %sub3A_64, %mul3A_230 : i32
            %get3A_235 = arith.index_cast %add3A_234 : i32 to index
            %get3A_236 = tpu.vector_load %arg10[%get3A_235] {strides = array<i32>} : memref<8208xi32, #tpu.memory_space<vmem>>, vector<16xi32>,
            %add3A_237 = arith.addi %sub3A_64, %mul3A_230 : i32
            %get3A_238 = arith.index_cast %add3A_237 : i32 to index
            %get3A_239 = tpu.vector_load %arg11[%get3A_238] {strides = array<i32>} : memref<8208xf32, #tpu.memory_space<vmem>>, vector<16xf32>,
            %add3A_240 = arith.addi %add3A_206, %mul3A_230 : i32
            %iota3A = tpu.iota {dimensions = array<i32: 0>} : vector<16xi32>
            %add3A_241 = vector.broadcast %add3A_240 : i32 to vector<16xi32>
            %add3A_242 = arith.addi %add3A_241, %iota3A : vector<16xi32>
            %sub3A_243 = vector.broadcast %mul3A_66 : i32 to vector<16xi32>
            %sub3A_244 = arith.subi %get3A_233, %sub3A_243 : vector<16xi32>
            %lt3A = vector.broadcast %min3A_31 : i32 to vector<16xi32>
            %lt3A_245 = arith.cmpi slt, %add3A_242, %lt3A : vector<16xi32>
            %ge3A = arith.constant 0 : i32
            %ge3A_246 = vector.broadcast %ge3A : i32 to vector<16xi32>
            %ge3A_247 = arith.cmpi sge, %sub3A_244, %ge3A_246 : vector<16xi32>
            %and3A_248 = arith.andi %lt3A_245, %ge3A_247 : vector<16xi1>
            %lt3A_249 = arith.constant 16 : i32
            %lt3A_250 = vector.broadcast %lt3A_249 : i32 to vector<16xi32>
            %lt3A_251 = arith.cmpi slt, %sub3A_244, %lt3A_250 : vector<16xi32>
            %and3A_252 = arith.andi %and3A_248, %lt3A_251 : vector<16xi1>
            tpu.vector_store_idx %arg8[%sub3A_244, %get3A_236], %get3A_239 masked %and3A_252 : memref<16x4096xf32, #tpu.memory_space<vmem>>[vector<16xi32>, vector<16xi32>], vector<16xf32>, vector<16xi1>
          }
          %while3A_225 = arith.constant 1 : i32
          scf.for %while3A_226 = %while3A_223 to %while3A_219 step %while3A_225  : i32 {
            %mul3A_227 = arith.muli %while3A_226, %while3A_215 : i32
            %add3A_228 = arith.addi %while3A_216, %mul3A_227 : i32
            %mul3A_229 = arith.constant 16 : i32
            %mul3A_230 = arith.muli %add3A_228, %mul3A_229 : i32
            %add3A_231 = arith.addi %sub3A_64, %mul3A_230 : i32
            %get3A_232 = arith.index_cast %add3A_231 : i32 to index
            %get3A_233 = tpu.vector_load %arg9[%get3A_232] {strides = array<i32>} : memref<8208xi32, #tpu.memory_space<vmem>>, vector<16xi32>,
            %add3A_234 = arith.addi %sub3A_64, %mul3A_230 : i32
            %get3A_235 = arith.index_cast %add3A_234 : i32 to index
            %get3A_236 = tpu.vector_load %arg10[%get3A_235] {strides = array<i32>} : memref<8208xi32, #tpu.memory_space<vmem>>, vector<16xi32>,
            %add3A_237 = arith.addi %sub3A_64, %mul3A_230 : i32
            %get3A_238 = arith.index_cast %add3A_237 : i32 to index
            %get3A_239 = tpu.vector_load %arg11[%get3A_238] {strides = array<i32>} : memref<8208xf32, #tpu.memory_space<vmem>>, vector<16xf32>,
            %add3A_240 = arith.addi %add3A_206, %mul3A_230 : i32
            %iota3A = tpu.iota {dimensions = array<i32: 0>} : vector<16xi32>
            %add3A_241 = vector.broadcast %add3A_240 : i32 to vector<16xi32>
            %add3A_242 = arith.addi %add3A_241, %iota3A : vector<16xi32>
            %sub3A_243 = vector.broadcast %mul3A_66 : i32 to vector<16xi32>
            %sub3A_244 = arith.subi %get3A_233, %sub3A_243 : vector<16xi32>
            %lt3A = vector.broadcast %min3A_31 : i32 to vector<16xi32>
            %lt3A_245 = arith.cmpi slt, %add3A_242, %lt3A : vector<16xi32>
            %ge3A = arith.constant 0 : i32
            %ge3A_246 = vector.broadcast %ge3A : i32 to vector<16xi32>
            %ge3A_247 = arith.cmpi sge, %sub3A_244, %ge3A_246 : vector<16xi32>
            %and3A_248 = arith.andi %lt3A_245, %ge3A_247 : vector<16xi1>
            %lt3A_249 = arith.constant 16 : i32
            %lt3A_250 = vector.broadcast %lt3A_249 : i32 to vector<16xi32>
            %lt3A_251 = arith.cmpi slt, %sub3A_244, %lt3A_250 : vector<16xi32>
            %and3A_252 = arith.andi %and3A_248, %lt3A_251 : vector<16xi1>
            tpu.vector_store_idx %arg8[%sub3A_244, %get3A_236], %get3A_239 masked %and3A_252 : memref<16x4096xf32, #tpu.memory_space<vmem>>[vector<16xi32>, vector<16xi32>], vector<16xf32>, vector<16xi1>
          }
        }
        "tpu.trace_stop"() : () -> ()
        "tpu.trace_start"() <{level = 10 : i32, message = "sc_dma_out"}> : () -> ()
        %dma_start3A = arith.constant 0 : i32
        %dma_start3A_105 = tpu.memref_slice %arg6[%multiple_of3A, %dma_start3A] : memref<4096x4096xf32, #tpu.memory_space<hbm>> -> memref<16x4096xf32, #tpu.memory_space<hbm>>
        %dma_start3A_106 = arith.constant 0 : i32
        %dma_start3A_107 = tpu.memref_slice %arg6[%multiple_of3A, %dma_start3A_106] : memref<4096x4096xf32, #tpu.memory_space<hbm>> -> memref<16x4096xf32, #tpu.memory_space<hbm>>
        tpu.enqueue_dma source(%arg8 : memref<16x4096xf32, #tpu.memory_space<vmem>>) target(%dma_start3A_107 : memref<16x4096xf32, #tpu.memory_space<hbm>>) target_semaphore(%arg13 : memref<!tpu.dma_semaphore, #tpu.memory_space<semaphore_mem>>)
        %dma_wait3A = arith.constant 0 : i32
        %dma_wait3A_108 = tpu.memref_slice %arg6[%multiple_of3A, %dma_wait3A] : memref<4096x4096xf32, #tpu.memory_space<hbm>> -> memref<16x4096xf32, #tpu.memory_space<hbm>>
        %dma_wait3A_109 = arith.constant 0 : i32
        %dma_wait3A_110 = tpu.memref_slice %arg6[%multiple_of3A, %dma_wait3A_109] : memref<4096x4096xf32, #tpu.memory_space<hbm>> -> memref<16x4096xf32, #tpu.memory_space<hbm>>
        tpu.wait_dma2 semaphore(%arg13 : memref<!tpu.dma_semaphore, #tpu.memory_space<semaphore_mem>>) src(%arg8 : memref<16x4096xf32, #tpu.memory_space<vmem>>) dst(%dma_wait3A_110 : memref<16x4096xf32, #tpu.memory_space<hbm>>)
        "tpu.trace_stop"() : () -> ()
        "tpu.trace_start"() <{level = 10 : i32, message = "sc_clean"}> : () -> ()
        %and3A_111 = arith.constant -8 : i32
        %and3A_112 = arith.andi %mul3A_28, %and3A_111 : i32
        %sub3A_113 = arith.subi %mul3A_28, %and3A_112 : i32
        %mul3A_114 = arith.constant 16 : i32
        %mul3A_115 = arith.muli %add3A_17, %mul3A_114 : i32
        %sub3A_116 = arith.subi %min3A_31, %mul3A_28 : i32
        %add3A_117 = arith.constant 8192 : i32
        %add3A_118 = arith.addi %sub3A_116, %add3A_117 : i32
        %sub3A_119 = arith.constant 1 : i32
        %sub3A_120 = arith.subi %add3A_118, %sub3A_119 : i32
        %jit3A_121 = arith.constant 8192 : i32
        %div3A_122 = arith.divsi %sub3A_120, %jit3A_121 : i32
        %sign3A_123 = arith.constant 0 : i32
        %sign3A_124 = arith.cmpi sgt, %sub3A_120, %sign3A_123 : i32
        %sign3A_125 = arith.extui %sign3A_124 : i1 to i32
        %sign3A_126 = arith.constant 0 : i32
        %sign3A_127 = arith.cmpi slt, %sub3A_120, %sign3A_126 : i32
        %sign3A_128 = arith.extui %sign3A_127 : i1 to i32
        %sign3A_129 = arith.subi %sign3A_125, %sign3A_128 : i32
        %sign3A_130 = arith.constant 0 : i32
        %sign3A_131 = arith.cmpi sgt, %jit3A_121, %sign3A_130 : i32
        %sign3A_132 = arith.extui %sign3A_131 : i1 to i32
        %sign3A_133 = arith.constant 0 : i32
        %sign3A_134 = arith.cmpi slt, %jit3A_121, %sign3A_133 : i32
        %sign3A_135 = arith.extui %sign3A_134 : i1 to i32
        %sign3A_136 = arith.subi %sign3A_132, %sign3A_135 : i32
        %ne3A_137 = arith.cmpi ne, %sign3A_129, %sign3A_136 : i32
        %rem3A_138 = arith.remsi %sub3A_120, %jit3A_121 : i32
        %ne3A_139 = arith.constant 0 : i32
        %ne3A_140 = arith.cmpi ne, %rem3A_138, %ne3A_139 : i32
        %and3A_141 = arith.andi %ne3A_137, %ne3A_140 : i1
        %sub3A_142 = arith.constant 1 : i32
        %sub3A_143 = arith.subi %div3A_122, %sub3A_142 : i32
        %select_n3A_144 = arith.select %and3A_141, %sub3A_143, %div3A_122 : i32
        %while3A_145 = arith.constant 0 : i32
        %while3A_146 = arith.constant 0 : i32
        %while3A_147 = arith.subi %select_n3A_144, %while3A_146 : i32
        %while3A_148 = arith.addi %while3A_146, %while3A_147 : i32
        %while3A_149 = arith.constant 1 : i32
        %while3A_150 = arith.divsi %while3A_147, %while3A_149 : i32
        %while3A_151 = arith.muli %while3A_150, %while3A_149 : i32
        %while3A_152 = arith.addi %while3A_146, %while3A_151 : i32
        %while3A_153 = arith.constant 1 : i32
        scf.for %while3A_155 = %while3A_146 to %while3A_152 step %while3A_153  : i32 {
          %mul3A_156 = arith.constant 8192 : i32
          %mul3A_157 = arith.muli %while3A_155, %mul3A_156 : i32
          %add3A_158 = arith.addi %and3A_112, %mul3A_157 : i32
          %multiple_of3A_159 = tpu.assume_multiple %add3A_158, 8 : i32
          %dma_start3A_160 = tpu.memref_slice %arg2[%multiple_of3A_159] : memref<1703936xi32, #tpu.memory_space<hbm>> -> memref<8208xi32, #tpu.memory_space<hbm>>
          %dma_start3A_161 = tpu.memref_slice %arg2[%multiple_of3A_159] : memref<1703936xi32, #tpu.memory_space<hbm>> -> memref<8208xi32, #tpu.memory_space<hbm>>
          tpu.enqueue_dma source(%dma_start3A_161 : memref<8208xi32, #tpu.memory_space<hbm>>) target(%arg9 : memref<8208xi32, #tpu.memory_space<vmem>>) target_semaphore(%arg12 : memref<!tpu.dma_semaphore, #tpu.memory_space<semaphore_mem>>)
          %dma_start3A_162 = tpu.memref_slice %arg3[%multiple_of3A_159] : memref<1703936xi32, #tpu.memory_space<hbm>> -> memref<8208xi32, #tpu.memory_space<hbm>>
          %dma_start3A_163 = tpu.memref_slice %arg3[%multiple_of3A_159] : memref<1703936xi32, #tpu.memory_space<hbm>> -> memref<8208xi32, #tpu.memory_space<hbm>>
          tpu.enqueue_dma source(%dma_start3A_163 : memref<8208xi32, #tpu.memory_space<hbm>>) target(%arg10 : memref<8208xi32, #tpu.memory_space<vmem>>) target_semaphore(%arg12 : memref<!tpu.dma_semaphore, #tpu.memory_space<semaphore_mem>>)
          %dma_start3A_164 = tpu.memref_slice %arg4[%multiple_of3A_159] : memref<1703936xf32, #tpu.memory_space<hbm>> -> memref<8208xf32, #tpu.memory_space<hbm>>
          %dma_start3A_165 = tpu.memref_slice %arg4[%multiple_of3A_159] : memref<1703936xf32, #tpu.memory_space<hbm>> -> memref<8208xf32, #tpu.memory_space<hbm>>
          tpu.enqueue_dma source(%dma_start3A_165 : memref<8208xf32, #tpu.memory_space<hbm>>) target(%arg11 : memref<8208xf32, #tpu.memory_space<vmem>>) target_semaphore(%arg12 : memref<!tpu.dma_semaphore, #tpu.memory_space<semaphore_mem>>)
          %dma_wait3A_166 = tpu.memref_slice %arg2[%multiple_of3A_159] : memref<1703936xi32, #tpu.memory_space<hbm>> -> memref<8208xi32, #tpu.memory_space<hbm>>
          %dma_wait3A_167 = tpu.memref_slice %arg2[%multiple_of3A_159] : memref<1703936xi32, #tpu.memory_space<hbm>> -> memref<8208xi32, #tpu.memory_space<hbm>>
          tpu.wait_dma2 semaphore(%arg12 : memref<!tpu.dma_semaphore, #tpu.memory_space<semaphore_mem>>) src(%dma_wait3A_167 : memref<8208xi32, #tpu.memory_space<hbm>>) dst(%arg9 : memref<8208xi32, #tpu.memory_space<vmem>>)
          %dma_wait3A_168 = tpu.memref_slice %arg3[%multiple_of3A_159] : memref<1703936xi32, #tpu.memory_space<hbm>> -> memref<8208xi32, #tpu.memory_space<hbm>>
          %dma_wait3A_169 = tpu.memref_slice %arg3[%multiple_of3A_159] : memref<1703936xi32, #tpu.memory_space<hbm>> -> memref<8208xi32, #tpu.memory_space<hbm>>
          tpu.wait_dma2 semaphore(%arg12 : memref<!tpu.dma_semaphore, #tpu.memory_space<semaphore_mem>>) src(%dma_wait3A_169 : memref<8208xi32, #tpu.memory_space<hbm>>) dst(%arg10 : memref<8208xi32, #tpu.memory_space<vmem>>)
          %dma_wait3A_170 = tpu.memref_slice %arg4[%multiple_of3A_159] : memref<1703936xf32, #tpu.memory_space<hbm>> -> memref<8208xf32, #tpu.memory_space<hbm>>
          %dma_wait3A_171 = tpu.memref_slice %arg4[%multiple_of3A_159] : memref<1703936xf32, #tpu.memory_space<hbm>> -> memref<8208xf32, #tpu.memory_space<hbm>>
          tpu.wait_dma2 semaphore(%arg12 : memref<!tpu.dma_semaphore, #tpu.memory_space<semaphore_mem>>) src(%dma_wait3A_171 : memref<8208xf32, #tpu.memory_space<hbm>>) dst(%arg11 : memref<8208xf32, #tpu.memory_space<vmem>>)
          %sub3A_172 = arith.subi %min3A_31, %mul3A_28 : i32
          %mul3A_173 = arith.constant 8192 : i32
          %mul3A_174 = arith.muli %while3A_155, %mul3A_173 : i32
          %sub3A_175 = arith.subi %sub3A_172, %mul3A_174 : i32
          %min3A_176 = arith.constant 8192 : i32
          %min3A_177 = arith.minsi %sub3A_175, %min3A_176 : i32
          %add3A_178 = arith.constant 15 : i32
          %add3A_179 = arith.addi %min3A_177, %add3A_178 : i32
          %jit3A_180 = arith.constant 16 : i32
          %div3A_181 = arith.divsi %add3A_179, %jit3A_180 : i32
          %sign3A_182 = arith.constant 0 : i32
          %sign3A_183 = arith.cmpi sgt, %add3A_179, %sign3A_182 : i32
          %sign3A_184 = arith.extui %sign3A_183 : i1 to i32
          %sign3A_185 = arith.constant 0 : i32
          %sign3A_186 = arith.cmpi slt, %add3A_179, %sign3A_185 : i32
          %sign3A_187 = arith.extui %sign3A_186 : i1 to i32
          %sign3A_188 = arith.subi %sign3A_184, %sign3A_187 : i32
          %sign3A_189 = arith.constant 0 : i32
          %sign3A_190 = arith.cmpi sgt, %jit3A_180, %sign3A_189 : i32
          %sign3A_191 = arith.extui %sign3A_190 : i1 to i32
          %sign3A_192 = arith.constant 0 : i32
          %sign3A_193 = arith.cmpi slt, %jit3A_180, %sign3A_192 : i32
          %sign3A_194 = arith.extui %sign3A_193 : i1 to i32
          %sign3A_195 = arith.subi %sign3A_191, %sign3A_194 : i32
          %ne3A_196 = arith.cmpi ne, %sign3A_188, %sign3A_195 : i32
          %rem3A_197 = arith.remsi %add3A_179, %jit3A_180 : i32
          %ne3A_198 = arith.constant 0 : i32
          %ne3A_199 = arith.cmpi ne, %rem3A_197, %ne3A_198 : i32
          %and3A_200 = arith.andi %ne3A_196, %ne3A_199 : i1
          %sub3A_201 = arith.constant 1 : i32
          %sub3A_202 = arith.subi %div3A_181, %sub3A_201 : i32
          %select_n3A_203 = arith.select %and3A_200, %sub3A_202, %div3A_181 : i32
          %mul3A_204 = arith.constant 8192 : i32
          %mul3A_205 = arith.muli %while3A_155, %mul3A_204 : i32
          %add3A_206 = arith.addi %mul3A_28, %mul3A_205 : i32
          %sub3A_207 = arith.constant 0 : i32
          %sub3A_208 = arith.subi %select_n3A_203, %sub3A_207 : i32
          %sub3A_209 = arith.constant 1 : i32
          %sub3A_210 = arith.constant 1 : i32
          %sub3A_211 = arith.subi %sub3A_209, %sub3A_210 : i32
          %add3A_212 = arith.addi %sub3A_208, %sub3A_211 : i32
          %div3A_213 = arith.constant 1 : i32
          %div3A_214 = arith.divsi %add3A_212, %div3A_213 : i32
          %while3A_215 = arith.constant 1 : i32
          %while3A_216 = arith.constant 0 : i32
          %while3A_217 = arith.constant 0 : i32
          %while3A_218 = arith.subi %div3A_214, %while3A_217 : i32
          %while3A_219 = arith.addi %while3A_217, %while3A_218 : i32
          %while3A_220 = arith.constant 1 : i32
          %while3A_221 = arith.divsi %while3A_218, %while3A_220 : i32
          %while3A_222 = arith.muli %while3A_221, %while3A_220 : i32
          %while3A_223 = arith.addi %while3A_217, %while3A_222 : i32
          %while3A_224 = arith.constant 1 : i32
          scf.for %while3A_226 = %while3A_217 to %while3A_223 step %while3A_224  : i32 {
            %mul3A_227 = arith.muli %while3A_226, %while3A_215 : i32
            %add3A_228 = arith.addi %while3A_216, %mul3A_227 : i32
            %mul3A_229 = arith.constant 16 : i32
            %mul3A_230 = arith.muli %add3A_228, %mul3A_229 : i32
            %add3A_231 = arith.addi %sub3A_113, %mul3A_230 : i32
            %get3A_232 = arith.index_cast %add3A_231 : i32 to index
            %get3A_233 = tpu.vector_load %arg9[%get3A_232] {strides = array<i32>} : memref<8208xi32, #tpu.memory_space<vmem>>, vector<16xi32>,
            %add3A_234 = arith.addi %sub3A_113, %mul3A_230 : i32
            %get3A_235 = arith.index_cast %add3A_234 : i32 to index
            %get3A_236 = tpu.vector_load %arg10[%get3A_235] {strides = array<i32>} : memref<8208xi32, #tpu.memory_space<vmem>>, vector<16xi32>,
            %add3A_237 = arith.addi %sub3A_113, %mul3A_230 : i32
            %get3A_238 = arith.index_cast %add3A_237 : i32 to index
            %get3A_239 = tpu.vector_load %arg11[%get3A_238] {strides = array<i32>} : memref<8208xf32, #tpu.memory_space<vmem>>, vector<16xf32>,
            %add3A_240 = arith.addi %add3A_206, %mul3A_230 : i32
            %iota3A = tpu.iota {dimensions = array<i32: 0>} : vector<16xi32>
            %add3A_241 = vector.broadcast %add3A_240 : i32 to vector<16xi32>
            %add3A_242 = arith.addi %add3A_241, %iota3A : vector<16xi32>
            %sub3A_243 = vector.broadcast %mul3A_115 : i32 to vector<16xi32>
            %sub3A_244 = arith.subi %get3A_233, %sub3A_243 : vector<16xi32>
            %lt3A = vector.broadcast %min3A_31 : i32 to vector<16xi32>
            %lt3A_245 = arith.cmpi slt, %add3A_242, %lt3A : vector<16xi32>
            %ge3A = arith.constant 0 : i32
            %ge3A_246 = vector.broadcast %ge3A : i32 to vector<16xi32>
            %ge3A_247 = arith.cmpi sge, %sub3A_244, %ge3A_246 : vector<16xi32>
            %and3A_248 = arith.andi %lt3A_245, %ge3A_247 : vector<16xi1>
            %lt3A_249 = arith.constant 16 : i32
            %lt3A_250 = vector.broadcast %lt3A_249 : i32 to vector<16xi32>
            %lt3A_251 = arith.cmpi slt, %sub3A_244, %lt3A_250 : vector<16xi32>
            %and3A_252 = arith.andi %and3A_248, %lt3A_251 : vector<16xi1>
            %broadcast_in_dim3A = arith.constant 0.000000e+00 : f32
            %broadcast_in_dim3A_253 = vector.broadcast %broadcast_in_dim3A : f32 to vector<16xf32>
            tpu.vector_store_idx %arg8[%sub3A_244, %get3A_236], %broadcast_in_dim3A_253 masked %and3A_252 : memref<16x4096xf32, #tpu.memory_space<vmem>>[vector<16xi32>, vector<16xi32>], vector<16xf32>, vector<16xi1>
          }
          %while3A_225 = arith.constant 1 : i32
          scf.for %while3A_226 = %while3A_223 to %while3A_219 step %while3A_225  : i32 {
            %mul3A_227 = arith.muli %while3A_226, %while3A_215 : i32
            %add3A_228 = arith.addi %while3A_216, %mul3A_227 : i32
            %mul3A_229 = arith.constant 16 : i32
            %mul3A_230 = arith.muli %add3A_228, %mul3A_229 : i32
            %add3A_231 = arith.addi %sub3A_113, %mul3A_230 : i32
            %get3A_232 = arith.index_cast %add3A_231 : i32 to index
            %get3A_233 = tpu.vector_load %arg9[%get3A_232] {strides = array<i32>} : memref<8208xi32, #tpu.memory_space<vmem>>, vector<16xi32>,
            %add3A_234 = arith.addi %sub3A_113, %mul3A_230 : i32
            %get3A_235 = arith.index_cast %add3A_234 : i32 to index
            %get3A_236 = tpu.vector_load %arg10[%get3A_235] {strides = array<i32>} : memref<8208xi32, #tpu.memory_space<vmem>>, vector<16xi32>,
            %add3A_237 = arith.addi %sub3A_113, %mul3A_230 : i32
            %get3A_238 = arith.index_cast %add3A_237 : i32 to index
            %get3A_239 = tpu.vector_load %arg11[%get3A_238] {strides = array<i32>} : memref<8208xf32, #tpu.memory_space<vmem>>, vector<16xf32>,
            %add3A_240 = arith.addi %add3A_206, %mul3A_230 : i32
            %iota3A = tpu.iota {dimensions = array<i32: 0>} : vector<16xi32>
            %add3A_241 = vector.broadcast %add3A_240 : i32 to vector<16xi32>
            %add3A_242 = arith.addi %add3A_241, %iota3A : vector<16xi32>
            %sub3A_243 = vector.broadcast %mul3A_115 : i32 to vector<16xi32>
            %sub3A_244 = arith.subi %get3A_233, %sub3A_243 : vector<16xi32>
            %lt3A = vector.broadcast %min3A_31 : i32 to vector<16xi32>
            %lt3A_245 = arith.cmpi slt, %add3A_242, %lt3A : vector<16xi32>
            %ge3A = arith.constant 0 : i32
            %ge3A_246 = vector.broadcast %ge3A : i32 to vector<16xi32>
            %ge3A_247 = arith.cmpi sge, %sub3A_244, %ge3A_246 : vector<16xi32>
            %and3A_248 = arith.andi %lt3A_245, %ge3A_247 : vector<16xi1>
            %lt3A_249 = arith.constant 16 : i32
            %lt3A_250 = vector.broadcast %lt3A_249 : i32 to vector<16xi32>
            %lt3A_251 = arith.cmpi slt, %sub3A_244, %lt3A_250 : vector<16xi32>
            %and3A_252 = arith.andi %and3A_248, %lt3A_251 : vector<16xi1>
            %broadcast_in_dim3A = arith.constant 0.000000e+00 : f32
            %broadcast_in_dim3A_253 = vector.broadcast %broadcast_in_dim3A : f32 to vector<16xf32>
            tpu.vector_store_idx %arg8[%sub3A_244, %get3A_236], %broadcast_in_dim3A_253 masked %and3A_252 : memref<16x4096xf32, #tpu.memory_space<vmem>>[vector<16xi32>, vector<16xi32>], vector<16xf32>, vector<16xi1>
          }
        }
        %while3A_154 = arith.constant 1 : i32
        scf.for %while3A_155 = %while3A_152 to %while3A_148 step %while3A_154  : i32 {
          %mul3A_156 = arith.constant 8192 : i32
          %mul3A_157 = arith.muli %while3A_155, %mul3A_156 : i32
          %add3A_158 = arith.addi %and3A_112, %mul3A_157 : i32
          %multiple_of3A_159 = tpu.assume_multiple %add3A_158, 8 : i32
          %dma_start3A_160 = tpu.memref_slice %arg2[%multiple_of3A_159] : memref<1703936xi32, #tpu.memory_space<hbm>> -> memref<8208xi32, #tpu.memory_space<hbm>>
          %dma_start3A_161 = tpu.memref_slice %arg2[%multiple_of3A_159] : memref<1703936xi32, #tpu.memory_space<hbm>> -> memref<8208xi32, #tpu.memory_space<hbm>>
          tpu.enqueue_dma source(%dma_start3A_161 : memref<8208xi32, #tpu.memory_space<hbm>>) target(%arg9 : memref<8208xi32, #tpu.memory_space<vmem>>) target_semaphore(%arg12 : memref<!tpu.dma_semaphore, #tpu.memory_space<semaphore_mem>>)
          %dma_start3A_162 = tpu.memref_slice %arg3[%multiple_of3A_159] : memref<1703936xi32, #tpu.memory_space<hbm>> -> memref<8208xi32, #tpu.memory_space<hbm>>
          %dma_start3A_163 = tpu.memref_slice %arg3[%multiple_of3A_159] : memref<1703936xi32, #tpu.memory_space<hbm>> -> memref<8208xi32, #tpu.memory_space<hbm>>
          tpu.enqueue_dma source(%dma_start3A_163 : memref<8208xi32, #tpu.memory_space<hbm>>) target(%arg10 : memref<8208xi32, #tpu.memory_space<vmem>>) target_semaphore(%arg12 : memref<!tpu.dma_semaphore, #tpu.memory_space<semaphore_mem>>)
          %dma_start3A_164 = tpu.memref_slice %arg4[%multiple_of3A_159] : memref<1703936xf32, #tpu.memory_space<hbm>> -> memref<8208xf32, #tpu.memory_space<hbm>>
          %dma_start3A_165 = tpu.memref_slice %arg4[%multiple_of3A_159] : memref<1703936xf32, #tpu.memory_space<hbm>> -> memref<8208xf32, #tpu.memory_space<hbm>>
          tpu.enqueue_dma source(%dma_start3A_165 : memref<8208xf32, #tpu.memory_space<hbm>>) target(%arg11 : memref<8208xf32, #tpu.memory_space<vmem>>) target_semaphore(%arg12 : memref<!tpu.dma_semaphore, #tpu.memory_space<semaphore_mem>>)
          %dma_wait3A_166 = tpu.memref_slice %arg2[%multiple_of3A_159] : memref<1703936xi32, #tpu.memory_space<hbm>> -> memref<8208xi32, #tpu.memory_space<hbm>>
          %dma_wait3A_167 = tpu.memref_slice %arg2[%multiple_of3A_159] : memref<1703936xi32, #tpu.memory_space<hbm>> -> memref<8208xi32, #tpu.memory_space<hbm>>
          tpu.wait_dma2 semaphore(%arg12 : memref<!tpu.dma_semaphore, #tpu.memory_space<semaphore_mem>>) src(%dma_wait3A_167 : memref<8208xi32, #tpu.memory_space<hbm>>) dst(%arg9 : memref<8208xi32, #tpu.memory_space<vmem>>)
          %dma_wait3A_168 = tpu.memref_slice %arg3[%multiple_of3A_159] : memref<1703936xi32, #tpu.memory_space<hbm>> -> memref<8208xi32, #tpu.memory_space<hbm>>
          %dma_wait3A_169 = tpu.memref_slice %arg3[%multiple_of3A_159] : memref<1703936xi32, #tpu.memory_space<hbm>> -> memref<8208xi32, #tpu.memory_space<hbm>>
          tpu.wait_dma2 semaphore(%arg12 : memref<!tpu.dma_semaphore, #tpu.memory_space<semaphore_mem>>) src(%dma_wait3A_169 : memref<8208xi32, #tpu.memory_space<hbm>>) dst(%arg10 : memref<8208xi32, #tpu.memory_space<vmem>>)
          %dma_wait3A_170 = tpu.memref_slice %arg4[%multiple_of3A_159] : memref<1703936xf32, #tpu.memory_space<hbm>> -> memref<8208xf32, #tpu.memory_space<hbm>>
          %dma_wait3A_171 = tpu.memref_slice %arg4[%multiple_of3A_159] : memref<1703936xf32, #tpu.memory_space<hbm>> -> memref<8208xf32, #tpu.memory_space<hbm>>
          tpu.wait_dma2 semaphore(%arg12 : memref<!tpu.dma_semaphore, #tpu.memory_space<semaphore_mem>>) src(%dma_wait3A_171 : memref<8208xf32, #tpu.memory_space<hbm>>) dst(%arg11 : memref<8208xf32, #tpu.memory_space<vmem>>)
          %sub3A_172 = arith.subi %min3A_31, %mul3A_28 : i32
          %mul3A_173 = arith.constant 8192 : i32
          %mul3A_174 = arith.muli %while3A_155, %mul3A_173 : i32
          %sub3A_175 = arith.subi %sub3A_172, %mul3A_174 : i32
          %min3A_176 = arith.constant 8192 : i32
          %min3A_177 = arith.minsi %sub3A_175, %min3A_176 : i32
          %add3A_178 = arith.constant 15 : i32
          %add3A_179 = arith.addi %min3A_177, %add3A_178 : i32
          %jit3A_180 = arith.constant 16 : i32
          %div3A_181 = arith.divsi %add3A_179, %jit3A_180 : i32
          %sign3A_182 = arith.constant 0 : i32
          %sign3A_183 = arith.cmpi sgt, %add3A_179, %sign3A_182 : i32
          %sign3A_184 = arith.extui %sign3A_183 : i1 to i32
          %sign3A_185 = arith.constant 0 : i32
          %sign3A_186 = arith.cmpi slt, %add3A_179, %sign3A_185 : i32
          %sign3A_187 = arith.extui %sign3A_186 : i1 to i32
          %sign3A_188 = arith.subi %sign3A_184, %sign3A_187 : i32
          %sign3A_189 = arith.constant 0 : i32
          %sign3A_190 = arith.cmpi sgt, %jit3A_180, %sign3A_189 : i32
          %sign3A_191 = arith.extui %sign3A_190 : i1 to i32
          %sign3A_192 = arith.constant 0 : i32
          %sign3A_193 = arith.cmpi slt, %jit3A_180, %sign3A_192 : i32
          %sign3A_194 = arith.extui %sign3A_193 : i1 to i32
          %sign3A_195 = arith.subi %sign3A_191, %sign3A_194 : i32
          %ne3A_196 = arith.cmpi ne, %sign3A_188, %sign3A_195 : i32
          %rem3A_197 = arith.remsi %add3A_179, %jit3A_180 : i32
          %ne3A_198 = arith.constant 0 : i32
          %ne3A_199 = arith.cmpi ne, %rem3A_197, %ne3A_198 : i32
          %and3A_200 = arith.andi %ne3A_196, %ne3A_199 : i1
          %sub3A_201 = arith.constant 1 : i32
          %sub3A_202 = arith.subi %div3A_181, %sub3A_201 : i32
          %select_n3A_203 = arith.select %and3A_200, %sub3A_202, %div3A_181 : i32
          %mul3A_204 = arith.constant 8192 : i32
          %mul3A_205 = arith.muli %while3A_155, %mul3A_204 : i32
          %add3A_206 = arith.addi %mul3A_28, %mul3A_205 : i32
          %sub3A_207 = arith.constant 0 : i32
          %sub3A_208 = arith.subi %select_n3A_203, %sub3A_207 : i32
          %sub3A_209 = arith.constant 1 : i32
          %sub3A_210 = arith.constant 1 : i32
          %sub3A_211 = arith.subi %sub3A_209, %sub3A_210 : i32
          %add3A_212 = arith.addi %sub3A_208, %sub3A_211 : i32
          %div3A_213 = arith.constant 1 : i32
          %div3A_214 = arith.divsi %add3A_212, %div3A_213 : i32
          %while3A_215 = arith.constant 1 : i32
          %while3A_216 = arith.constant 0 : i32
          %while3A_217 = arith.constant 0 : i32
          %while3A_218 = arith.subi %div3A_214, %while3A_217 : i32
          %while3A_219 = arith.addi %while3A_217, %while3A_218 : i32
          %while3A_220 = arith.constant 1 : i32
          %while3A_221 = arith.divsi %while3A_218, %while3A_220 : i32
          %while3A_222 = arith.muli %while3A_221, %while3A_220 : i32
          %while3A_223 = arith.addi %while3A_217, %while3A_222 : i32
          %while3A_224 = arith.constant 1 : i32
          scf.for %while3A_226 = %while3A_217 to %while3A_223 step %while3A_224  : i32 {
            %mul3A_227 = arith.muli %while3A_226, %while3A_215 : i32
            %add3A_228 = arith.addi %while3A_216, %mul3A_227 : i32
            %mul3A_229 = arith.constant 16 : i32
            %mul3A_230 = arith.muli %add3A_228, %mul3A_229 : i32
            %add3A_231 = arith.addi %sub3A_113, %mul3A_230 : i32
            %get3A_232 = arith.index_cast %add3A_231 : i32 to index
            %get3A_233 = tpu.vector_load %arg9[%get3A_232] {strides = array<i32>} : memref<8208xi32, #tpu.memory_space<vmem>>, vector<16xi32>,
            %add3A_234 = arith.addi %sub3A_113, %mul3A_230 : i32
            %get3A_235 = arith.index_cast %add3A_234 : i32 to index
            %get3A_236 = tpu.vector_load %arg10[%get3A_235] {strides = array<i32>} : memref<8208xi32, #tpu.memory_space<vmem>>, vector<16xi32>,
            %add3A_237 = arith.addi %sub3A_113, %mul3A_230 : i32
            %get3A_238 = arith.index_cast %add3A_237 : i32 to index
            %get3A_239 = tpu.vector_load %arg11[%get3A_238] {strides = array<i32>} : memref<8208xf32, #tpu.memory_space<vmem>>, vector<16xf32>,
            %add3A_240 = arith.addi %add3A_206, %mul3A_230 : i32
            %iota3A = tpu.iota {dimensions = array<i32: 0>} : vector<16xi32>
            %add3A_241 = vector.broadcast %add3A_240 : i32 to vector<16xi32>
            %add3A_242 = arith.addi %add3A_241, %iota3A : vector<16xi32>
            %sub3A_243 = vector.broadcast %mul3A_115 : i32 to vector<16xi32>
            %sub3A_244 = arith.subi %get3A_233, %sub3A_243 : vector<16xi32>
            %lt3A = vector.broadcast %min3A_31 : i32 to vector<16xi32>
            %lt3A_245 = arith.cmpi slt, %add3A_242, %lt3A : vector<16xi32>
            %ge3A = arith.constant 0 : i32
            %ge3A_246 = vector.broadcast %ge3A : i32 to vector<16xi32>
            %ge3A_247 = arith.cmpi sge, %sub3A_244, %ge3A_246 : vector<16xi32>
            %and3A_248 = arith.andi %lt3A_245, %ge3A_247 : vector<16xi1>
            %lt3A_249 = arith.constant 16 : i32
            %lt3A_250 = vector.broadcast %lt3A_249 : i32 to vector<16xi32>
            %lt3A_251 = arith.cmpi slt, %sub3A_244, %lt3A_250 : vector<16xi32>
            %and3A_252 = arith.andi %and3A_248, %lt3A_251 : vector<16xi1>
            %broadcast_in_dim3A = arith.constant 0.000000e+00 : f32
            %broadcast_in_dim3A_253 = vector.broadcast %broadcast_in_dim3A : f32 to vector<16xf32>
            tpu.vector_store_idx %arg8[%sub3A_244, %get3A_236], %broadcast_in_dim3A_253 masked %and3A_252 : memref<16x4096xf32, #tpu.memory_space<vmem>>[vector<16xi32>, vector<16xi32>], vector<16xf32>, vector<16xi1>
          }
          %while3A_225 = arith.constant 1 : i32
          scf.for %while3A_226 = %while3A_223 to %while3A_219 step %while3A_225  : i32 {
            %mul3A_227 = arith.muli %while3A_226, %while3A_215 : i32
            %add3A_228 = arith.addi %while3A_216, %mul3A_227 : i32
            %mul3A_229 = arith.constant 16 : i32
            %mul3A_230 = arith.muli %add3A_228, %mul3A_229 : i32
            %add3A_231 = arith.addi %sub3A_113, %mul3A_230 : i32
            %get3A_232 = arith.index_cast %add3A_231 : i32 to index
            %get3A_233 = tpu.vector_load %arg9[%get3A_232] {strides = array<i32>} : memref<8208xi32, #tpu.memory_space<vmem>>, vector<16xi32>,
            %add3A_234 = arith.addi %sub3A_113, %mul3A_230 : i32
            %get3A_235 = arith.index_cast %add3A_234 : i32 to index
            %get3A_236 = tpu.vector_load %arg10[%get3A_235] {strides = array<i32>} : memref<8208xi32, #tpu.memory_space<vmem>>, vector<16xi32>,
            %add3A_237 = arith.addi %sub3A_113, %mul3A_230 : i32
            %get3A_238 = arith.index_cast %add3A_237 : i32 to index
            %get3A_239 = tpu.vector_load %arg11[%get3A_238] {strides = array<i32>} : memref<8208xf32, #tpu.memory_space<vmem>>, vector<16xf32>,
            %add3A_240 = arith.addi %add3A_206, %mul3A_230 : i32
            %iota3A = tpu.iota {dimensions = array<i32: 0>} : vector<16xi32>
            %add3A_241 = vector.broadcast %add3A_240 : i32 to vector<16xi32>
            %add3A_242 = arith.addi %add3A_241, %iota3A : vector<16xi32>
            %sub3A_243 = vector.broadcast %mul3A_115 : i32 to vector<16xi32>
            %sub3A_244 = arith.subi %get3A_233, %sub3A_243 : vector<16xi32>
            %lt3A = vector.broadcast %min3A_31 : i32 to vector<16xi32>
            %lt3A_245 = arith.cmpi slt, %add3A_242, %lt3A : vector<16xi32>
            %ge3A = arith.constant 0 : i32
            %ge3A_246 = vector.broadcast %ge3A : i32 to vector<16xi32>
            %ge3A_247 = arith.cmpi sge, %sub3A_244, %ge3A_246 : vector<16xi32>
            %and3A_248 = arith.andi %lt3A_245, %ge3A_247 : vector<16xi1>
            %lt3A_249 = arith.constant 16 : i32
            %lt3A_250 = vector.broadcast %lt3A_249 : i32 to vector<16xi32>
            %lt3A_251 = arith.cmpi slt, %sub3A_244, %lt3A_250 : vector<16xi32>
            %and3A_252 = arith.andi %and3A_248, %lt3A_251 : vector<16xi1>
            %broadcast_in_dim3A = arith.constant 0.000000e+00 : f32
            %broadcast_in_dim3A_253 = vector.broadcast %broadcast_in_dim3A : f32 to vector<16xf32>
            tpu.vector_store_idx %arg8[%sub3A_244, %get3A_236], %broadcast_in_dim3A_253 masked %and3A_252 : memref<16x4096xf32, #tpu.memory_space<vmem>>[vector<16xi32>, vector<16xi32>], vector<16xf32>, vector<16xi1>
          }
        }
        "tpu.trace_stop"() : () -> ()
      } else {
      }
    }
    %scan3A_9 = arith.constant 8 : i32
    return
  }
}

module attributes {stable_mosaic.version = 14 : i64} {
  func.func @_split_body(%arg0: i32, %arg1: memref<2x131072xi32, #tpu.memory_space<vmem>>, %arg2: memref<131072xf32, #tpu.memory_space<vmem>>, %arg3: memref<131072xi32, #tpu.memory_space<vmem>>, %arg4: memref<131072xi32, #tpu.memory_space<vmem>>, %arg5: memref<131072xf32, #tpu.memory_space<vmem>>) attributes {dimension_semantics = [#tpu.dimension_semantics<arbitrary>], iteration_bounds = array<i64: 13>, scalar_prefetch = 0 : i64, scratch_operands = 0 : i64, tpu.core_type = #tpu.core_type<tc>, window_params = [{transform_indices = @transform_0, window_bounds = array<i64: 2, 131072>}, {transform_indices = @transform_1, window_bounds = array<i64: 131072>}, {transform_indices = @transform_2, window_bounds = array<i64: 131072>}, {transform_indices = @transform_3, window_bounds = array<i64: 131072>}, {transform_indices = @transform_4, window_bounds = array<i64: 131072>}]} {
    %get3A = arith.constant 0 : index
    %get3A_0 = arith.constant 0 : index
    %get3A_1 = vector.load %arg1[%get3A, %get3A_0] : memref<2x131072xi32, #tpu.memory_space<vmem>>, vector<1x131072xi32>
    %get3A_2 = vector.shape_cast %get3A_1 : vector<1x131072xi32> to vector<131072xi32>
    %swap3A = arith.constant 0 : index
    %swap3A_3 = vector.load %arg3[%swap3A] : memref<131072xi32, #tpu.memory_space<vmem>>, vector<131072xi32>
    tpu.vector_store %arg3[%swap3A], %get3A_2 {strides = array<i32>} : memref<131072xi32, #tpu.memory_space<vmem>>, vector<131072xi32>,
    %get3A_4 = arith.constant 1 : index
    %get3A_5 = arith.constant 0 : index
    %get3A_6 = vector.load %arg1[%get3A_4, %get3A_5] : memref<2x131072xi32, #tpu.memory_space<vmem>>, vector<1x131072xi32>
    %get3A_7 = vector.shape_cast %get3A_6 : vector<1x131072xi32> to vector<131072xi32>
    %swap3A_8 = arith.constant 0 : index
    %swap3A_9 = vector.load %arg4[%swap3A_8] : memref<131072xi32, #tpu.memory_space<vmem>>, vector<131072xi32>
    tpu.vector_store %arg4[%swap3A_8], %get3A_7 {strides = array<i32>} : memref<131072xi32, #tpu.memory_space<vmem>>, vector<131072xi32>,
    %get3A_10 = arith.constant 0 : index
    %get3A_11 = vector.load %arg2[%get3A_10] : memref<131072xf32, #tpu.memory_space<vmem>>, vector<131072xf32>
    %swap3A_12 = arith.constant 0 : index
    %swap3A_13 = vector.load %arg5[%swap3A_12] : memref<131072xf32, #tpu.memory_space<vmem>>, vector<131072xf32>
    tpu.vector_store %arg5[%swap3A_12], %get3A_11 {strides = array<i32>} : memref<131072xf32, #tpu.memory_space<vmem>>, vector<131072xf32>,
    return
  }
  func.func @transform_0(%arg0: i32) -> (i32, i32) {
    %c0_i32 = arith.constant 0 : i32
    %c0_i32_0 = arith.constant 0 : i32
    return %c0_i32, %arg0 : i32, i32
  }
  func.func @transform_1(%arg0: i32) -> i32 {
    %c0_i32 = arith.constant 0 : i32
    return %arg0 : i32
  }
  func.func @transform_2(%arg0: i32) -> i32 {
    %c0_i32 = arith.constant 0 : i32
    return %arg0 : i32
  }
  func.func @transform_3(%arg0: i32) -> i32 {
    %c0_i32 = arith.constant 0 : i32
    return %arg0 : i32
  }
  func.func @transform_4(%arg0: i32) -> i32 {
    %c0_i32 = arith.constant 0 : i32
    return %arg0 : i32
  }
}

module attributes {stable_mosaic.version = 14 : i64} {
  func.func @_mm_body(%arg0: i32, %arg1: memref<1024x4096xf32, #tpu.memory_space<vmem>>, %arg2: memref<512x4096xf32, #tpu.memory_space<vmem>>, %arg3: memref<512xf32, #tpu.memory_space<vmem>>, %arg4: memref<1024x512xf32, #tpu.memory_space<vmem>>) attributes {dimension_semantics = [#tpu.dimension_semantics<arbitrary>], iteration_bounds = array<i64: 8>, scalar_prefetch = 0 : i64, scratch_operands = 0 : i64, tpu.core_type = #tpu.core_type<tc>, window_params = [{pipeline_mode = #tpu.pipeline_mode<synchronous>, transform_indices = @transform_0, window_bounds = array<i64: 1024, 4096>}, {transform_indices = @transform_1, window_bounds = array<i64: 512, 4096>}, {transform_indices = @transform_2, window_bounds = array<i64: 512>}, {transform_indices = @transform_3, window_bounds = array<i64: 1024, 512>}]} {
    %get3A = arith.constant 0 : index
    %get3A_0 = arith.constant 0 : index
    %get3A_1 = vector.load %arg1[%get3A, %get3A_0] : memref<1024x4096xf32, #tpu.memory_space<vmem>>, vector<1024x4096xf32>
    %get3A_2 = arith.constant 0 : index
    %get3A_3 = arith.constant 0 : index
    %get3A_4 = vector.load %arg2[%get3A_2, %get3A_3] : memref<512x4096xf32, #tpu.memory_space<vmem>>, vector<512x4096xf32>
    %dot_general3A = arith.constant dense<0.000000e+00> : vector<1024x512xf32>
    %dot_general3A_5 = tpu.matmul %get3A_1, %get3A_4, %dot_general3A {dimension_numbers = #tpu.dot_dimension_numbers<[1], [1], [0], [0], [0, 0, 1, 0], [], []>, transpose_lhs_hint = false} : vector<1024x4096xf32>, vector<512x4096xf32>, vector<1024x512xf32> -> vector<1024x512xf32>
    %get3A_6 = arith.constant 0 : index
    %get3A_7 = vector.load %arg3[%get3A_6] : memref<512xf32, #tpu.memory_space<vmem>>, vector<512xf32>
    %broadcast_in_dim3A = vector.shape_cast %get3A_7 : vector<512xf32> to vector<1x512xf32>
    %add3A = vector.broadcast %broadcast_in_dim3A : vector<1x512xf32> to vector<1024x512xf32>
    %add3A_8 = arith.addf %dot_general3A_5, %add3A : vector<1024x512xf32>
    %swap3A = arith.constant 0 : index
    %swap3A_9 = arith.constant 0 : index
    %swap3A_10 = vector.load %arg4[%swap3A, %swap3A_9] : memref<1024x512xf32, #tpu.memory_space<vmem>>, vector<1024x512xf32>
    tpu.vector_store %arg4[%swap3A, %swap3A_9], %add3A_8 {strides = array<i32>} : memref<1024x512xf32, #tpu.memory_space<vmem>>, vector<1024x512xf32>,
    return
  }
  func.func @transform_0(%arg0: i32) -> (i32, i32) {
    %c0_i32 = arith.constant 0 : i32
    %c0_i32_0 = arith.constant 0 : i32
    %c0_i32_1 = arith.constant 0 : i32
    return %c0_i32, %c0_i32_0 : i32, i32
  }
  func.func @transform_1(%arg0: i32) -> (i32, i32) {
    %c0_i32 = arith.constant 0 : i32
    %c0_i32_0 = arith.constant 0 : i32
    return %arg0, %c0_i32 : i32, i32
  }
  func.func @transform_2(%arg0: i32) -> i32 {
    %c0_i32 = arith.constant 0 : i32
    return %arg0 : i32
  }
  func.func @transform_3(%arg0: i32) -> (i32, i32) {
    %c0_i32 = arith.constant 0 : i32
    %c0_i32_0 = arith.constant 0 : i32
    return %c0_i32, %arg0 : i32, i32
  }
}

</mosaic_0001>

<sc_bundles>
// kernel: kernel.5.cloned.1.call-start
scs
__scs_entry_jumppad:
0x0: {  	(pc) =	sbr.rel $0x88, $3  }
0x1: {  	(tag) =	ssettag $0x0;
	lr =	simm.s32 $0x1  }
0x2: {  	[smem:$0x3F9D] =	sst lr;
	_ =	strace $0xD0000000  }
0x3: {  	_ = 	snop  }
0x4: {  	_ = 	snop  }
0x5: {  	_ = 	snop  }
0x6: {  	_ = 	snop  }
0x7: {  	_ = 	snop  }
__scs_overlays_trampoline_lowered:
0x8: {  	[smem:$0x3FAC] =	sst s0  }
0x9: {  	[smem:$0x3FAD] =	sst s1  }
0xa: {  	[smem:$0x3FAE] =	sst s2  }
0xb: {  	[smem:$0x3FAF] =	sst s3  }
0xc: {  	[smem:$0x3FB0] =	sst s4  }
0xd: {  	[smem:$0x3FB1] =	sst s5  }
0xe: {  	[smem:$0x3FB2] =	sst s6  }
0xf: {  	[smem:$0x3FB3] =	sst s7  }
0x10: {  	[smem:$0x3FB4] =	sst s8  }
0x11: {  	[smem:$0x3FB5] =	sst s9;
	s0 =	simm.s32 @!p0 $0x0  }
0x12: {  	s1 =	sld [smem:$0x3F9B];
	s0 =	simm.s32 @p0 $0x1  }
0x13: {  	[smem:$0x3FB6] =	sst s0;
	s0 =	simm.s32 @!p1 $0x0  }
0x14: {  	s2 =	sld [smem:$0x3F9A];
	s0 =	simm.s32 @p1 $0x1  }
0x15: {  	[smem:$0x3FB7] =	sst s0;
	s0 =	simm.s32 @!p2 $0x0  }
0x16: {  	s3 =	sld [smem:$0x3FDB];
	s0 =	simm.s32 @p2 $0x1  }
0x17: {  	s4 =	simm.s32 $0x1BF5;
	[smem:$0x3FB9] =	sst s0  }
0x18: {  	s0 =	sld [smem:$0x3F9C];
	_ =	swait.ge [sflag:s4], $0x0  }
0x19: {  	s7 =	sld [smem:$0x3F9D]  }
0x1a: {  	s8 =	sadd.s32 $0xFFFFE003, lr  }
0x1b: {  	s9 =	sadd.s32 $0xFFFFFEF7, lr;
	s5 =	simm.s32 $0xFFFFFFFF;
	p2 =	slt.u32 s8, $0xFFFFF086  }
0x1c: {  	p1 =	slt.u32 s9, $0xF7A;
	s5 =	simm.s32 @!p2 $0x0  }
0x1d: {  	s5 =	simm.s32 @p1 $0x1;
	p0 =	seq.s32 s7, s2  }
0x1e: {  	s7 =	smul.u32 @!p0 $0xF7A, s2;
	p2 =	seq.s32 @!p0 s5, $0x0  }
0x1f: {  	s9 =	smul.u32 $0xF7A, s1;
	s8 =	simm.s32 @!p0 $0x1BF5;
	p2 =	por !p2, p0  }
0x20: {  	[sflag:s8] =	ssyncset.s32 @!p0 $0xFFFFF086;
	s6 =	sadd.s32 @!p0 s3, s7;
	s7 =	simm.s32 @!p0 $0x108  }
0x21: {  	s3 =	sadd.s32 s3, s9;
	s6 =	sadd.s32 @!p0 $0x88, s6;
	s7 =	simm.s32 @p2 $0x1082  }
0x22: {  	[simem:s7], [sflag:s8] =	dma.local @!p0 [hbm:s6], $0xF7A  }
0x23: {  	s9 =	sor.u32 $0xD0000000, s2;
	s6 =	simm.s32 $0x108;
	_ =	swait.ge @!p0 [sflag:s8], $0x0  }
0x24: {  	s3 =	sadd.s32 $0x88, s3;
	s6 =	simm.s32 @!p1 $0x1082;
	[sflag:s4] =	ssyncset.s32 $0xFFFFF086  }
0x25: {  	[simem:s6], [sflag:s4] =	dma.local [hbm:s3], $0xF7A  }
0x26: {  	[smem:$0x3F9D] =	sst s1;
	(tag) =	ssettag s2;
	_ =	strace s9  }
0x27: {  	s1 =	sld [smem:$0x3FAD]  }
0x28: {  	s2 =	sld [smem:$0x3FAE]  }
0x29: {  	s4 =	sld [smem:$0x3FB0]  }
0x2a: {  	p0 =	seq.s32 s5, $0x0;
	s5 =	sld [smem:$0x3FB1]  }
0x2b: {  	s6 =	sld [smem:$0x3FB2]  }
0x2c: {  	s7 =	sld [smem:$0x3FB3]  }
0x2d: {  	s3 =	simm.s32 $0x108;
	s8 =	sld [smem:$0x3FB4]  }
0x2e: {  	s3 =	simm.s32 @!p0 $0x1082;
	s9 =	sld [smem:$0x3FB5]  }
0x2f: {  	lr =	sadd.s32 s0, s3;
	s0 =	sld [smem:$0x3FAC]  }
0x30: {  	s3 =	sld [smem:$0x3FAF]  }
0x31: {  	[smem:$0x3FB8] =	sst s10  }
0x32: {  	s10 =	sld [smem:$0x3FB6];
	_ =	sdelay $0x3  }
0x33: {  	p0 =	seq.s32 s10, $0x1;
	s10 =	sld [smem:$0x3FB8];
	_ =	sdelay $0x3  }
0x34: {  	[smem:$0x3FB8] =	sst s10  }
0x35: {  	s10 =	sld [smem:$0x3FB7];
	_ =	sdelay $0x3  }
0x36: {  	p1 =	seq.s32 s10, $0x1;
	s10 =	sld [smem:$0x3FB8];
	_ =	sdelay $0x3  }
0x37: {  	[smem:$0x3FB8] =	sst s10  }
0x38: {  	s10 =	sld [smem:$0x3FB9]  }
0x39: {  	_ = 	snop;
	(pc) =	sbr.ind lr, $3  }
0x3a: {  	_ = 	snop  }
0x3b: {  	_ = 	snop  }
0x3c: {  	p2 =	seq.s32 s10, $0x1;
	s10 =	sld [smem:$0x3FB8]  }
0x3d: {  	_ =	shalt  }
0x3e: {  	_ =	shalt  }
0x3f: {  	_ =	shalt  }
0x40: {  	_ =	shalt  }
0x41: {  	_ =	shalt  }
0x42: {  	_ =	shalt  }
0x43: {  	_ =	shalt  }
0x44: {  	_ =	shalt  }
0x45: {  	_ =	shalt  }
0x46: {  	_ =	shalt  }
0x47: {  	_ =	shalt  }
0x48: {  	_ =	shalt  }
0x49: {  	_ =	shalt  }
0x4a: {  	_ =	shalt  }
0x4b: {  	_ =	shalt  }
0x4c: {  	_ =	shalt  }
0x4d: {  	_ =	shalt  }
0x4e: {  	_ =	shalt  }
0x4f: {  	_ =	shalt  }
0x50: {  	_ =	shalt  }
0x51: {  	_ =	shalt  }
0x52: {  	_ =	shalt  }
0x53: {  	_ =	shalt  }
0x54: {  	_ =	shalt  }
0x55: {  	_ =	shalt  }
0x56: {  	_ =	shalt  }
0x57: {  	_ =	shalt  }
0x58: {  	_ =	shalt  }
0x59: {  	_ =	shalt  }
0x5a: {  	_ =	shalt  }
0x5b: {  	_ =	shalt  }
0x5c: {  	_ =	shalt  }
0x5d: {  	_ =	shalt  }
0x5e: {  	_ =	shalt  }
0x5f: {  	_ =	shalt  }
0x60: {  	_ =	shalt  }
0x61: {  	_ =	shalt  }
0x62: {  	_ =	shalt  }
0x63: {  	_ =	shalt  }
0x64: {  	_ =	shalt  }
0x65: {  	_ =	shalt  }
0x66: {  	_ =	shalt  }
0x67: {  	_ =	shalt  }
0x68: {  	_ =	shalt  }
0x69: {  	_ =	shalt  }
0x6a: {  	_ =	shalt  }
0x6b: {  	_ =	shalt  }
0x6c: {  	_ =	shalt  }
0x6d: {  	_ =	shalt  }
0x6e: {  	_ =	shalt  }
0x6f: {  	_ =	shalt  }
0x70: {  	_ =	shalt  }
0x71: {  	_ =	shalt  }
0x72: {  	_ =	shalt  }
0x73: {  	_ =	shalt  }
0x74: {  	_ =	shalt  }
0x75: {  	_ =	shalt  }
0x76: {  	_ =	shalt  }
0x77: {  	_ =	shalt  }
0x78: {  	_ =	shalt  }
0x79: {  	_ =	shalt  }
0x7a: {  	_ =	shalt  }
0x7b: {  	_ =	shalt  }
0x7c: {  	_ =	shalt  }
0x7d: {  	_ =	shalt  }
0x7e: {  	_ =	shalt  }
0x7f: {  	_ =	shalt  }
0x80: {  	_ =	shalt  }
0x81: {  	_ =	shalt  }
0x82: {  	_ =	shalt  }
0x83: {  	_ =	shalt  }
0x84: {  	_ =	shalt  }
0x85: {  	_ =	shalt  }
0x86: {  	_ =	shalt  }
0x87: {  	_ =	shalt  }
.Lfunc_end0:
.L_simem_size_0:
called_computation_lowered:
.L_overlay_start_0:
0x88: {  	s2 =	sld [smem:$0x3FD9]  }
0x89: {  	s3 =	sld [smem:$0x3FFE];
	_ =	sdelay $0x1  }
0x8a: {  	s1 =	srdreg.scid  }
0x8b: {  	s0 =	sand.u32 $0x1, s1  }
0x8c: {  	s17 =	sshll.u32 s0, $0xA;
	s2 =	sadd.s32 s3, s2  }
0x8d: {  	s2 =	sadd.s32 s2, s17  }
0x8e: {  	[smem:$0x3FC4] =	sst s2  }
0x8f: {  	_ = 	snop  }
0x90: {  	s2 =	sld [smem:$0x3FD0];
	(tm) =	ssettm $0x1  }
0x91: {  	s18 =	sld [smem:$0x3FFB];
	_ =	sdelay $0x3  }
0x92: {  	_ =	strace s18  }
0x93: {  	s3 =	sld [smem:$0x3FFC];
	_ =	sdelay $0x3  }
0x94: {  	_ =	strace s3  }
0x95: {  	s3 =	sld [smem:$0x3FFD];
	_ =	sdelay $0x3  }
0x96: {  	_ =	strace s3  }
0x97: {  	_ =	strace $0x8FFFFFFF  }
0x98: {  	s19 =	sld [smem:$0x3FDB];
	_ =	sdelay $0x1  }
0x99: {  	s4 =	simm.s32 $_scs_section_size  }
0x9a: {  	s5 =	simm.s32 $_size__tile_overlayer_lowered;
	s6 =	simm.s32 $_tile_overlayer_lowered  }
0x9b: {  	s22 =	simm.s32 $0x1BFF;
	s21 =	sshll.u32 s6, $0x1;
	s3 =	sadd.s32 s4, s19  }
0x9c: {  	s7 =	simm.s32 $0x0;
	s20 =	sshll.u32 s5, $0x1;
	s5 =	sadd.s32 s21, s3  }
0x9d: {  	[timem:s7], [sflag:s22] =	dma.local [hbm:s5], s20  }
0x9e: {  	_ =	swait.ge [sflag:s22], s20  }
0x9f: {  	s4 =	ssub.s32 $0x0, s20;
	[sflag:s22] =	ssyncset.done $0x0  }
0xa0: {  	[sflag:s22] =	ssyncadd.s32 s4;
	_ =	sdelay $0x1  }
0xa1: {  	s23 =	simm.s32 $0x1B8B  }
0xa2: {  	_ =	swait.ge [sflag:s23], $0x1  }
0xa3: {  	[sflag:s23] =	ssyncset.done $0x0  }
0xa4: {  	s25 =	simm.s32 $0x1B8E;
	s24 =	sld [smem:$0x3FFE];
	[sflag:s23] =	ssyncadd.s32 $0xFFFFFFFF  }
0xa5: {  	s26 =	simm.s32 $execute0_lowered;
	[smem:$0x3FD2] =	sst s25  }
0xa6: {  	s5 =	sshll.u32 s26, $0x1;
	_ =	strace $0x80000046;
	[dreg:$0x1] =	wrdreg $0xFFFFFFFF  }
0xa7: {  	s28 =	simm.s32 $_size_execute0_lowered;
	s3 =	sadd.s32 s3, s5;
	[dreg:$0x0] =	wrdreg $0x0  }
0xa8: {  	s5 =	sshll.u32 s28, $0x1;
	[dreg:$0x2] =	wrdreg s3  }
0xa9: {  	[dreg:$0x3] =	wrdreg s5  }
0xaa: {  	[dreg:$0x4] =	wrdreg $0xC0  }
0xab: {  	_ =	task [dreg:s7], $0x5FFFF  }
0xac: {  	[dreg:$0x1] =	wrdreg $0xFFFFFFFF  }
0xad: {  	[dreg:$0x0] =	wrdreg $0x60  }
0xae: {  	[dreg:$0x2] =	wrdreg s24  }
0xaf: {  	[dreg:$0x3] =	wrdreg s2  }
0xb0: {  	[dreg:$0x4] =	wrdreg $0x9  }
0xb1: {  	_ =	task.clear_ibuf [dreg:s7], $0x5FFFF;
	_ =	strace $0x90000046  }
0xb2: {  	s29 =	simm.s32 $0x9;
	_ =	strace $0x8000004B  }
0xb3: {  	_ =	swait.ge [sflag:s29], $0x1  }
0xb4: {  	[sflag:s29] =	ssyncadd.s32 $0xFFFFFFFF  }
0xb5: {  	_ =	strace $0x9000004B  }
0xb6: {  	_ =	sfence  }
0xb7: {  	s30 =	sld [smem:$0x0];
	_ =	sdelay $0x2  }
0xb8: {  	s31 =	sshll.u32 s1, $0xD;
	s1 =	sshrl.u32 s1, $0x2  }
0xb9: {  	s3 =	sand.u32 $0x4000, s31;
	s1 =	sadd.s32 s1, s30  }
0xba: {  	s0 =	sor.u32 s3, s0;
	s1 =	sshll.u32 s1, $0x11  }
0xbb: {  	s0 =	sor.u32 s1, s0  }
0xbc: {  	s0 =	sadd.s32 $0x8F2B, s0  }
0xbd: {  	[sflag:s0] =	ssyncadd.remote.s32 $0x1  }
0xbe: {  	_ =	sfence.sel $0xFFFF  }
0xbf: {  	[dreg:$0x0] =	wrdreg $0xFFFFFFFF;
	(pc) =	sbr.abs _section_cstart, $3  }
0xc0: {  	[dreg:$0x1] =	wrdreg $0xFFFFFFFF  }
0xc1: {  	_ =	task.clear_ibuf [dreg:s7], $0x2FFFF;
	_ =	strace $0x9FFFFFFF  }
0xc2: {  	(tm) =	ssettm $0x7FFFFFFF  }
0xc3: {  	_ =	shalt  }
tec
execute0_lowered:
.L_overlay_start_1:
0x0: {  	(tag) =	ssettag $0x1  }
0x1: {  	s7 =	rddreg [dreg:$0x0]  }
0x2: {  	s1 =	rddreg [dreg:$0x1]  }
0x3: {  	s0 =	rddreg [dreg:$0x2];
	s2 =	simm.s32 $0x0;
	s3 =	srdreg.scid  }
0x4: {  	s12 =	simm.s32 $0x10180;
	s13 =	simm.s32 $0x12200;
	s14 =	simm.s32 $0x14280  }
0x5: {  	s15 =	simm.s32 $0x180;
	s16 =	simm.s32 $0x2;
	s17 =	simm.s32 $0x0  }
0x6: {  	[smem:$0x7FF] =	sst s2;
	s4 =	sadd.s32 $0x600, s7;
	s5 =	sadd.s32 $0x34600, s7  }
.Ltmp0:
0x7: {  	s8 =	sand.u32 $0x1, s3;
	s6 =	sadd.s32 $0x68600, s7;
	(pc) =	sbr.rel .LBB2_1-.Ltmp0, $4  }
0x8: {  	s3 =	stileid.u32;
	s7 =	sadd.s32 $0x68800, s7;
	s9 =	ssub.s32 $0x2, s8  }
0x9: {  	s11 =	sshll.u32 s3, $0x4;
	s8 =	sshll.u32 s8, $0x3;
	s10 =	sshrl.u32 s9, $0x1  }
0xa: {  	_ =	strace $0x80000047;
	s8 =	sor.u32 s8, s11;
	s9 =	ssub.s32 s9, s10  }
0xb: {  	v0 =	vimm.f32 $0.0e+00;
	v1 =	vlaneseq.u32;
	s11 =	simm.s32 $0x1;
	s10 =	simm.s32 $0x3;
	v2 =	vmov s8;
	s9 =	smax.u32 s9, $0x1  }
.LBB2_33:
0xc: {  	s17 =	sadd.s32 $0x1, s17  }
0xd: {  	p0 =	sne.s32 s17, s9  }
.Ltmp1:
0xe: {  	_ = 	snop;
	(pc) =	sbr.rel @!p0 .LBB2_34-.Ltmp1, $1  }
0xf: {  	_ =	sdelay $0x3  }
.LBB2_1:
0x10: {  	[tilespmem:s2], [sflag:$0x3] =	stream.linear.gather [hbm4b:s6+s2], $0x180, $0x38;
	[tilespmem:$0x16300] =	vst v63  }
0x11: {  	_ =	swait.ge [sflag:s10], $0x180  }
0x12: {  	[sflag:s10] =	ssyncset.done $0x0  }
0x13: {  	s18 =	simm.s32 $0x0;
	[sflag:s10] =	ssyncadd.s32 $0xFFFFFE80  }
.LBB2_2:
0x14: {  	s19 =	sshll.u32 s18, $0xC;
	s20 =	sshll.u32 s18, $0x7  }
0x15: {  	s19 =	sand.u32 $0x8000, s19;
	s20 =	sand.u32 $0x380, s20  }
0x16: {  	s20 =	sor.u32 s20, s19;
	s19 =	simm.s32 $0x0  }
0x17: {  	s20 =	sadd.s32 $0x180, s20;
	s21 =	sand.u32 $0x7C00, s19  }
0x18: {  	s22 =	sand.u32 $0x70, s19;
	s23 =	sadd.s32 s21, s20  }
0x19: {  	s21 =	simm.s32 $0x10;
	s22 =	sadd.s32 s22, s23  }
.LBB2_3:
0x1a: {  	p0 =	sne.s32 s21, $0xFF0  }
0x1b: {  	[tilespmem:s22+$0x0] =	vst v0;
	s19 =	sadd.s32 $0x80, s19;
	s22 =	smov.u32 s21;
	s21 =	sadd.s32 $0x10, s21  }
.Ltmp2:
0x1c: {  	(pc) =	sbr.rel @p0 .LBB2_3-.Ltmp2, $4  }
0x1d: {  	_ = 	snop  }
0x1e: {  	s23 =	sand.u32 $0x7C00, s19  }
0x1f: {  	s22 =	sand.u32 $0x70, s22;
	s23 =	sadd.s32 s23, s20  }
0x20: {  	s22 =	sadd.s32 s22, s23  }
0x21: {  	s18 =	sadd.s32 $0x1, s18  }
0x22: {  	p0 =	sne.s32 s18, $0x10  }
.Ltmp3:
0x23: {  	_ = 	snop;
	(pc) =	sbr.rel @p0 .LBB2_2-.Ltmp3, $2  }
0x24: {  	_ =	sdelay $0x2  }
0x25: {  	[tilespmem:s22+$0x0] =	vst v0  }
.Ltmp4:
0x26: {  	(pc) =	sbr.rel .LBB2_6-.Ltmp4, $2  }
0x27: {  	_ =	sdelay $0x2  }
0x28: {  	s18 =	simm.s32 $0x0  }
.LBB2_30:
0x29: {  	_ =	strace $0x9000004A  }
.LBB2_32:
0x2a: {  	s18 =	sadd.s32 $0x1, s18  }
0x2b: {  	p0 =	sne.s32 s18, $0x8  }
.Ltmp5:
0x2c: {  	_ = 	snop;
	(pc) =	sbr.rel @!p0 .LBB2_33-.Ltmp5, $1  }
0x2d: {  	_ =	sdelay $0x3  }
.LBB2_6:
0x2e: {  	_ =	sdelay $0x3  }
0x2f: {  	v3 =	vld.idx.msk [tilespmem:v2+s18+$0x0 ss:$0x1], $0xffff  }
0x30: {  	v4 =	vld.idx.msk [tilespmem:v2+s18+$0x1 ss:$0x1], $0xffff;
	_ =	sdelay $0x3  }
0x31: {  	(v2sf) =	vpush v3, $0x0  }
0x32: {  	(v2sf) =	vpush v4, $0x0;
	_ =	sdelay $0xd  }
0x33: {  	s19 =	spop (v2sf)  }
0x34: {  	s20 =	spop (v2sf);
	s19 =	sadd.s32 $0xFFFFFFFF, s19  }
0x35: {  	p0 =	sgt.s32 s19, $0x0;
	s23 =	sshll.u32 s20, $0x9  }
0x36: {  	s19 =	simm.s32 @!p0 $0x0;
	p0 =	slt.s32 s23, $0x199999  }
0x37: {  	s19 =	sshll.u32 s19, $0x9;
	s23 =	simm.s32 @!p0 $0x199999  }
0x38: {  	s20 =	ssub.s32 s23, s19  }
0x39: {  	s21 =	sadd.s32 $0x1FFF, s20  }
0x3a: {  	s22 =	sand.u32 $0x1FFF, s21  }
0x3b: {  	s24 =	sshra.s32 s21, $0x1F;
	p6 =	slt.s32 s21, $0x1;
	p1 =	sne.s32 s22, $0x0  }
0x3c: {  	s31 =	sshrl.u32 s24, $0x13;
	p0 =	por !p6, !p1  }
0x3d: {  	s22 =	simm.s32 $0x1;
	s21 =	sadd.s32 s31, s21;
	p0 =	por !p0, !p0  }
0x3e: {  	s21 =	sshra.s32 s21, $0xD;
	s22 =	simm.s32 @!p0 $0x0  }
0x3f: {  	s21 =	ssub.s32 s21, s22  }
0x40: {  	p0 =	sgt.s32 s21, $0x1  }
.Ltmp6:
0x41: {  	_ = 	snop;
	(pc) =	sbr.rel @p0 .LBB2_12-.Ltmp6, $3  }
0x42: {  	_ =	sdelay $0x1  }
0x43: {  	s22 =	sadd.s32 s8, s18  }
0x44: {  	s24 =	sshll.u32 s22, $0x4  }
0x45: {  	s21 =	sshrl.u32 s19, $0x3  }
0x46: {  	s25 =	sadd.s32 s4, s21  }
0x47: {  	[tilespmem:s12], [sflag:$0x1] =	stream.linear.gather [hbm4b:s25+s2], $0x2010, $0x38;
	[tilespmem:$0x16300] =	vst v63  }
0x48: {  	s31 =	sadd.s32 s5, s21  }
0x49: {  	[tilespmem:s13], [sflag:$0x1] =	stream.linear.gather [hbm4b:s31+s2], $0x2010, $0x38;
	[tilespmem:$0x16300] =	vst v63  }
0x4a: {  	p0 =	sgt.s32 s20, $0x0;
	s21 =	sadd.s32 s1, s21  }
0x4b: {  	[tilespmem:s14], [sflag:$0x1] =	stream.linear.gather [hbm4b:s21+s2], $0x2010, $0x38;
	[tilespmem:$0x16300] =	vst v63  }
0x4c: {  	s20 =	simm.s32 @!p0 $0x0;
	_ =	swait.ge [sflag:s11], $0x2010  }
0x4d: {  	s20 =	sadd.s32 $0xF, s20;
	[sflag:s11] =	ssyncset.done $0x0  }
0x4e: {  	s25 =	sshrl.u32 s20, $0x4;
	[sflag:s11] =	ssyncadd.s32 $0xFFFFDFF0  }
0x4f: {  	p0 =	seq.s32 s25, $0x0;
	_ =	swait.ge [sflag:s11], $0x2010  }
.Ltmp7:
0x50: {  	[sflag:s11] =	ssyncset.done $0x0;
	(pc) =	sbr.rel @p0 .LBB2_31-.Ltmp7, $4  }
0x51: {  	[sflag:s11] =	ssyncadd.s32 $0xFFFFDFF0  }
0x52: {  	_ =	swait.ge [sflag:s11], $0x2010  }
0x53: {  	[sflag:s11] =	ssyncset.done $0x0  }
0x54: {  	[sflag:s11] =	ssyncadd.s32 $0xFFFFDFF0  }
0x55: {  	s21 =	simm.s32 $0x10180  }
0x56: {  	s20 =	simm.s32 $0x12200;
	v5 =	vld [tilespmem:s21+$0x0]  }
0x57: {  	v6 =	vld [tilespmem:s20+$0x0];
	_ =	sdelay $0x2  }
0x58: {  	v3 =	vmov s24  }
0x59: {  	v4 =	vmov s23;
	v7 =	vor.u32 s19, v1;
	v8 =	vsub.s32 v5, v3  }
0x5a: {  	vm0 =	vlt.s32 v7, v4;
	v9 =	vshll.u32 v6, $0x3;
	v7 =	vshll.u32 v8, $0xC  }
0x5b: {  	v5 =	vshll.u32 v5, $0x7;
	v9 =	vand.u32 $0xFFFFFC00, v9;
	v7 =	vand.u32 $0xFFFF8000, v7  }
0x5c: {  	s23 =	ssub.s32 $0x0, s25;
	vm1 =	vlt.u32 v8, $0x10;
	v5 =	vand.u32 $0x380, v5;
	v7 =	vadd.s32 v9, v7  }
0x5d: {  	s24 =	simm.s32 $0x14280;
	s25 =	sadd.s32 $0x1, s23;
	v6 =	vand.u32 $0x7F, v6;
	vm1 =	vmand vm0, vm1;
	v5 =	vor.u32 v5, v7  }
0x5e: {  	p0 =	seq.s32 s25, $0x0;
	v7 =	vld [tilespmem:s24+$0x0];
	v5 =	vor.u32 v6, v5  }
.Ltmp8:
0x5f: {  	_ = 	snop;
	(pc) =	sbr.rel @p0 .LBB2_10-.Ltmp8, $2  }
0x60: {  	_ =	sdelay $0x2  }
0x61: {  	s26 =	simm.s32 $0x10190;
	s28 =	simm.s32 $0x12200;
	s29 =	smov.u32 s19;
	[tilespmem:v5+s15+$0x0] =	vst.idx.msk vm1, v7  }
.LBB2_9:
0x62: {  	v5 =	vld [tilespmem:s26+$0x0];
	s25 =	sadd.s32 $0x1, s25;
	s28 =	sadd.s32 $0x10, s28  }
0x63: {  	v6 =	vld [tilespmem:s28+$0x0];
	p0 =	seq.s32 s25, $0x0;
	_ =	sdelay $0x2  }
0x64: {  	s29 =	sadd.s32 $0x10, s29  }
0x65: {  	v7 =	vor.u32 s29, v1;
	v8 =	vsub.s32 v5, v3  }
0x66: {  	vm1 =	vlt.s32 v7, v4;
	v7 =	vshll.u32 v8, $0xC;
	v9 =	vshll.u32 v6, $0x3  }
0x67: {  	v5 =	vshll.u32 v5, $0x7;
	v7 =	vand.u32 $0xFFFF8000, v7;
	v9 =	vand.u32 $0xFFFFFC00, v9  }
0x68: {  	vm2 =	vlt.u32 v8, $0x10;
	v5 =	vand.u32 $0x380, v5;
	v7 =	vadd.s32 v9, v7  }
0x69: {  	s24 =	sadd.s32 $0x10, s24;
	v6 =	vand.u32 $0x7F, v6;
	vm1 =	vmand vm1, vm2;
	v5 =	vor.u32 v5, v7  }
0x6a: {  	v7 =	vld [tilespmem:s24+$0x0];
	v5 =	vor.u32 v6, v5  }
.Ltmp9:
0x6b: {  	(pc) =	sbr.rel @!p0 .LBB2_9-.Ltmp9, $2  }
0x6c: {  	_ =	sdelay $0x2  }
0x6d: {  	s26 =	sadd.s32 $0x10, s26;
	[tilespmem:v5+s15+$0x0] =	vst.idx.msk vm1, v7  }
.LBB2_10:
0x6e: {  	s22 =	sshll.u32 s22, $0xD  }
0x6f: {  	s22 =	sadd.s32 s7, s22  }
0x70: {  	[hbm4b:s22+s2] =	stream.linear.scatter [tilespmem:s15], [sflag:$0x2], $0x10000, $0x38;
	[tilespmem:$0x16300] =	vst v63  }
0x71: {  	_ =	swait.ge [sflag:s16], $0x10000  }
0x72: {  	[sflag:s16] =	ssyncset.done $0x0  }
0x73: {  	[sflag:s16] =	ssyncadd.s32 $0xFFFF0000  }
0x74: {  	v5 =	vld [tilespmem:s21+$0x0]  }
0x75: {  	v6 =	vld [tilespmem:s20+$0x0];
	_ =	sdelay $0x3  }
0x76: {  	v7 =	vsub.s32 v5, v3  }
0x77: {  	v9 =	vshll.u32 v6, $0x3;
	v8 =	vshll.u32 v7, $0xC  }
0x78: {  	v5 =	vshll.u32 v5, $0x7;
	v9 =	vand.u32 $0xFFFFFC00, v9;
	v8 =	vand.u32 $0xFFFF8000, v8  }
0x79: {  	vm1 =	vlt.u32 v7, $0x10;
	v5 =	vand.u32 $0x380, v5;
	v7 =	vadd.s32 v9, v8  }
0x7a: {  	s21 =	sadd.s32 $0x1, s23;
	v6 =	vand.u32 $0x7F, v6;
	vm0 =	vmand vm0, vm1;
	v5 =	vor.u32 v5, v7  }
0x7b: {  	p0 =	seq.s32 s21, $0x0;
	v5 =	vor.u32 v6, v5  }
.Ltmp10:
0x7c: {  	_ = 	snop;
	(pc) =	sbr.rel @p0 .LBB2_32-.Ltmp10, $2  }
0x7d: {  	_ =	sdelay $0x2  }
0x7e: {  	s22 =	simm.s32 $0x10190;
	[tilespmem:v5+s15+$0x0] =	vst.idx.msk vm0, v0  }
.LBB2_11:
0x7f: {  	v5 =	vld [tilespmem:s22+$0x0];
	s21 =	sadd.s32 $0x1, s21;
	s20 =	sadd.s32 $0x10, s20  }
0x80: {  	v6 =	vld [tilespmem:s20+$0x0];
	p0 =	seq.s32 s21, $0x0;
	_ =	sdelay $0x2  }
0x81: {  	s19 =	sadd.s32 $0x10, s19  }
0x82: {  	v7 =	vor.u32 s19, v1;
	v8 =	vsub.s32 v5, v3  }
0x83: {  	vm0 =	vlt.s32 v7, v4;
	v7 =	vshll.u32 v8, $0xC;
	v9 =	vshll.u32 v6, $0x3  }
0x84: {  	v5 =	vshll.u32 v5, $0x7;
	v7 =	vand.u32 $0xFFFF8000, v7;
	v9 =	vand.u32 $0xFFFFFC00, v9  }
0x85: {  	vm1 =	vlt.u32 v8, $0x10;
	v5 =	vand.u32 $0x380, v5;
	v7 =	vadd.s32 v9, v7  }
0x86: {  	v6 =	vand.u32 $0x7F, v6;
	vm0 =	vmand vm0, vm1;
	v5 =	vor.u32 v5, v7  }
0x87: {  	v5 =	vor.u32 v6, v5  }
.Ltmp11:
0x88: {  	(pc) =	sbr.rel @!p0 .LBB2_11-.Ltmp11, $2  }
0x89: {  	_ =	sdelay $0x2  }
0x8a: {  	s22 =	sadd.s32 $0x10, s22;
	[tilespmem:v5+s15+$0x0] =	vst.idx.msk vm0, v0  }
.Ltmp12:
0x8b: {  	_ = 	snop;
	(pc) =	sbr.rel .LBB2_32-.Ltmp12, $1  }
0x8c: {  	_ =	sdelay $0x3  }
.LBB2_12:
.Ltmp13:
0x8d: {  	(pc) =	sbr.rel .LBB2_13-.Ltmp13, $2  }
0x8e: {  	_ =	sdelay $0x2  }
0x8f: {  	_ =	strace $0x80000048;
	v3 =	vmov s24;
	v4 =	vmov s23;
	s23 =	simm.s32 $0x0;
	s24 =	smov.u32 s19  }
.LBB2_31:
0x90: {  	s19 =	sshll.u32 s22, $0xD  }
.Ltmp14:
0x91: {  	s19 =	sadd.s32 s7, s19;
	(pc) =	sbr.rel .LBB2_32-.Ltmp14, $4  }
0x92: {  	[hbm4b:s19+s2] =	stream.linear.scatter [tilespmem:s15], [sflag:$0x2], $0x10000, $0x38;
	[tilespmem:$0x16300] =	vst v63  }
0x93: {  	_ =	swait.ge [sflag:s16], $0x10000  }
0x94: {  	[sflag:s16] =	ssyncset.done $0x0  }
0x95: {  	[sflag:s16] =	ssyncadd.s32 $0xFFFF0000  }
.LBB2_15:
0x96: {  	s29 =	smov.u32 s24;
	s28 =	simm.s32 $0x14280  }
.LBB2_19:
0x97: {  	v6 =	vld [tilespmem:s26+$0x0];
	_ =	sdelay $0x1  }
0x98: {  	s26 =	sadd.s32 @p0 $0x10, s29;
	s29 =	smov.u32 s24  }
0x99: {  	s29 =	smov.u32 @p0 s26  }
0x9a: {  	v8 =	vsub.s32 v5, v3;
	v7 =	vor.u32 s29, v1  }
0x9b: {  	vm0 =	vlt.s32 v7, v4;
	v7 =	vshll.u32 v8, $0xC;
	v9 =	vshll.u32 v6, $0x3  }
0x9c: {  	v5 =	vshll.u32 v5, $0x7;
	v7 =	vand.u32 $0xFFFF8000, v7;
	v9 =	vand.u32 $0xFFFFFC00, v9  }
0x9d: {  	vm1 =	vlt.u32 v8, $0x10;
	v5 =	vand.u32 $0x380, v5;
	s26 =	sadd.s32 @p0 $0x10, s28;
	v7 =	vadd.s32 v9, v7  }
0x9e: {  	s25 =	smov.u32 @p0 s26;
	vm0 =	vmand vm0, vm1;
	v6 =	vand.u32 $0x7F, v6;
	v5 =	vor.u32 v5, v7  }
0x9f: {  	v7 =	vld [tilespmem:s25+$0x0];
	v5 =	vor.u32 v6, v5;
	_ =	sdelay $0x4  }
0xa0: {  	[tilespmem:v5+s15+$0x0] =	vst.idx.msk vm0, v7  }
.LBB2_20:
0xa1: {  	s23 =	sadd.s32 $0x1, s23  }
0xa2: {  	p0 =	sne.s32 s23, s21  }
.Ltmp15:
0xa3: {  	_ = 	snop;
	(pc) =	sbr.rel @!p0 .LBB2_21-.Ltmp15, $2  }
0xa4: {  	_ =	sdelay $0x2  }
0xa5: {  	s24 =	sadd.s32 $0x2000, s24  }
.LBB2_13:
0xa6: {  	s29 =	sshll.u32 s23, $0xD  }
0xa7: {  	s25 =	sadd.s32 s19, s29  }
0xa8: {  	s28 =	simm.s32 $0x10180;
	s29 =	ssub.s32 s20, s29;
	s25 =	sshrl.u32 s25, $0x3  }
0xa9: {  	p0 =	slt.s32 s29, $0x2000;
	p1 =	slt.s32 s29, $0xFFFFFFF2;
	s26 =	sadd.s32 s4, s25  }
0xaa: {  	[tilespmem:s28], [sflag:$0x1] =	stream.linear.gather [hbm4b:s26+s2], $0x2010, $0x200038;
	[tilespmem:$0x16300] =	vst v63  }
0xab: {  	s30 =	sadd.s32 s5, s25;
	s29 =	simm.s32 @!p0 $0x2000;
	s26 =	simm.s32 $0x12200  }
0xac: {  	[tilespmem:s26], [sflag:$0x1] =	stream.linear.gather [hbm4b:s30+s2], $0x2010, $0x200038;
	[tilespmem:$0x16300] =	vst v63  }
0xad: {  	s31 =	sadd.s32 s1, s25;
	s25 =	simm.s32 $0x14280;
	s29 =	sadd.s32 $0xF, s29  }
0xae: {  	[tilespmem:s25], [sflag:$0x1] =	stream.linear.gather [hbm4b:s31+s2], $0x2010, $0x200038;
	[tilespmem:$0x16300] =	vst v63  }
0xaf: {  	s31 =	sand.u32 $0xF, s29  }
0xb0: {  	p6 =	sne.s32 s31, $0x0;
	s31 =	sshra.s32 s29, $0x1F  }
0xb1: {  	_ =	swait.ge [sflag:s11], $0x2010;
	s30 =	sshrl.u32 s31, $0x1C;
	p0 =	por !p1, !p6  }
0xb2: {  	s29 =	sadd.s32 s30, s29;
	p0 =	por !p0, !p0;
	s30 =	simm.s32 $0x1  }
0xb3: {  	[sflag:s11] =	ssyncset.done $0x0;
	s29 =	sshra.s32 s29, $0x4;
	s30 =	simm.s32 @!p0 $0x0  }
0xb4: {  	[sflag:s11] =	ssyncadd.s32 $0xFFFFDFF0;
	s29 =	ssub.s32 s29, s30  }
0xb5: {  	_ =	swait.ge [sflag:s11], $0x2010;
	p0 =	slt.s32 s29, $0x1  }
.Ltmp16:
0xb6: {  	[sflag:s11] =	ssyncset.done $0x0;
	(pc) =	sbr.rel @p0 .LBB2_20-.Ltmp16, $4  }
0xb7: {  	[sflag:s11] =	ssyncadd.s32 $0xFFFFDFF0  }
0xb8: {  	_ =	swait.ge [sflag:s11], $0x2010  }
0xb9: {  	[sflag:s11] =	ssyncset.done $0x0  }
0xba: {  	[sflag:s11] =	ssyncadd.s32 $0xFFFFDFF0  }
0xbb: {  	p1 =	sne.s32 s29, $0x1  }
.Ltmp17:
0xbc: {  	_ = 	snop;
	(pc) =	sbr.rel @!p1 .LBB2_15-.Ltmp17, $2  }
0xbd: {  	_ =	sdelay $0x2  }
0xbe: {  	v5 =	vld [tilespmem:s28+$0x0];
	s29 =	sadd.s32 $0xFFFFFFFF, s29;
	p0 =	por $0x0, $0x0  }
0xbf: {  	v6 =	vld [tilespmem:s26+$0x0];
	_ =	sdelay $0x3  }
0xc0: {  	v7 =	vor.u32 s24, v1;
	v8 =	vsub.s32 v5, v3  }
0xc1: {  	vm0 =	vlt.s32 v7, v4;
	v7 =	vshll.u32 v8, $0xC;
	v9 =	vshll.u32 v6, $0x3  }
0xc2: {  	v5 =	vshll.u32 v5, $0x7;
	v7 =	vand.u32 $0xFFFF8000, v7;
	v9 =	vand.u32 $0xFFFFFC00, v9  }
0xc3: {  	vm1 =	vlt.u32 v8, $0x10;
	v5 =	vand.u32 $0x380, v5;
	v7 =	vadd.s32 v9, v7  }
0xc4: {  	v6 =	vand.u32 $0x7F, v6;
	vm0 =	vmand vm0, vm1;
	v5 =	vor.u32 v5, v7  }
0xc5: {  	v7 =	vld [tilespmem:s25+$0x0];
	v5 =	vor.u32 v6, v5  }
0xc6: {  	p1 =	sne.s32 s29, $0x1  }
.Ltmp18:
0xc7: {  	_ = 	snop;
	(pc) =	sbr.rel @!p1 .LBB2_17-.Ltmp18, $3  }
0xc8: {  	_ =	sdelay $0x1  }
0xc9: {  	s30 =	sadd.s32 $0x10, s28;
	s31 =	sadd.s32 $0xFFFFFFFF, s29;
	s26 =	sadd.s32 $0x10, s26;
	[tilespmem:v5+s15+$0x0] =	vst.idx.msk vm0, v7  }
0xca: {  	p0 =	por $0x1, $0x1;
	s29 =	smov.u32 s24;
	s28 =	simm.s32 $0x14280;
	v5 =	vld [tilespmem:s30+$0x0]  }
.LBB2_18:
0xcb: {  	p1 =	sne.s32 s31, $0x1;
	v6 =	vld [tilespmem:s26+$0x0];
	_ =	sdelay $0x2  }
0xcc: {  	s29 =	sadd.s32 $0x10, s29  }
0xcd: {  	v8 =	vsub.s32 v5, v3;
	v7 =	vor.u32 s29, v1  }
0xce: {  	vm0 =	vlt.s32 v7, v4;
	v7 =	vshll.u32 v8, $0xC;
	v9 =	vshll.u32 v6, $0x3  }
0xcf: {  	v5 =	vshll.u32 v5, $0x7;
	v7 =	vand.u32 $0xFFFF8000, v7;
	v9 =	vand.u32 $0xFFFFFC00, v9  }
0xd0: {  	vm1 =	vlt.u32 v8, $0x10;
	v5 =	vand.u32 $0x380, v5;
	v7 =	vadd.s32 v9, v7  }
0xd1: {  	s28 =	sadd.s32 $0x10, s28;
	vm0 =	vmand vm0, vm1;
	v6 =	vand.u32 $0x7F, v6;
	v5 =	vor.u32 v5, v7  }
0xd2: {  	v7 =	vld [tilespmem:s28+$0x0];
	v5 =	vor.u32 v6, v5;
	_ =	sdelay $0x1  }
.Ltmp19:
0xd3: {  	(pc) =	sbr.rel @p1 .LBB2_18-.Ltmp19, $3  }
0xd4: {  	_ =	sdelay $0x1  }
0xd5: {  	s30 =	sadd.s32 $0x10, s30;
	[tilespmem:v5+s15+$0x0] =	vst.idx.msk vm0, v7  }
0xd6: {  	s31 =	sadd.s32 $0xFFFFFFFF, s31;
	s26 =	sadd.s32 $0x10, s26;
	v5 =	vld [tilespmem:s30+$0x0]  }
.Ltmp20:
0xd7: {  	_ = 	snop;
	(pc) =	sbr.rel .LBB2_19-.Ltmp20, $1  }
0xd8: {  	_ =	sdelay $0x3  }
.LBB2_17:
.Ltmp21:
0xd9: {  	(pc) =	sbr.rel .LBB2_19-.Ltmp21, $2  }
0xda: {  	_ =	sdelay $0x2  }
0xdb: {  	s29 =	smov.u32 s24;
	s28 =	simm.s32 $0x14280  }
.LBB2_21:
0xdc: {  	_ =	strace $0x90000048;
	s22 =	sshll.u32 s22, $0xD  }
0xdd: {  	_ =	strace $0x80000049;
	s23 =	sadd.s32 s7, s22;
	s22 =	simm.s32 $0x0  }
0xde: {  	[hbm4b:s23+s22] =	stream.linear.scatter [tilespmem:s15], [sflag:$0x2], $0x10000, $0x200038;
	[tilespmem:$0x16300] =	vst v63  }
.Ltmp22:
0xdf: {  	_ =	swait.ge [sflag:s16], $0x10000;
	(pc) =	sbr.rel .LBB2_22-.Ltmp22, $4  }
0xe0: {  	[sflag:s16] =	ssyncset.done $0x0  }
0xe1: {  	[sflag:s16] =	ssyncadd.s32 $0xFFFF0000  }
0xe2: {  	_ =	strace $0x90000049  }
0xe3: {  	s23 =	smov.u32 s19;
	_ =	strace $0x8000004A  }
.LBB2_24:
0xe4: {  	s25 =	smov.u32 s23  }
.LBB2_28:
0xe5: {  	v6 =	vld [tilespmem:s24+$0x0];
	_ =	sdelay $0x1  }
0xe6: {  	s24 =	sadd.s32 @p0 $0x10, s25;
	s25 =	smov.u32 s23  }
0xe7: {  	s25 =	smov.u32 @p0 s24  }
0xe8: {  	v8 =	vsub.s32 v5, v3;
	v7 =	vor.u32 s25, v1  }
0xe9: {  	vm0 =	vlt.s32 v7, v4;
	v7 =	vshll.u32 v8, $0xC;
	v9 =	vshll.u32 v6, $0x3  }
0xea: {  	v5 =	vshll.u32 v5, $0x7;
	v7 =	vand.u32 $0xFFFF8000, v7;
	v9 =	vand.u32 $0xFFFFFC00, v9  }
0xeb: {  	vm1 =	vlt.u32 v8, $0x10;
	v5 =	vand.u32 $0x380, v5;
	v7 =	vadd.s32 v9, v7  }
0xec: {  	vm0 =	vmand vm0, vm1;
	v6 =	vand.u32 $0x7F, v6;
	v5 =	vor.u32 v5, v7  }
0xed: {  	v5 =	vor.u32 v6, v5;
	_ =	sdelay $0x4  }
0xee: {  	[tilespmem:v5+s15+$0x0] =	vst.idx.msk vm0, v0  }
.LBB2_29:
0xef: {  	s22 =	sadd.s32 $0x1, s22  }
0xf0: {  	p0 =	sne.s32 s22, s21  }
.Ltmp23:
0xf1: {  	_ = 	snop;
	(pc) =	sbr.rel @!p0 .LBB2_30-.Ltmp23, $2  }
0xf2: {  	_ =	sdelay $0x2  }
0xf3: {  	s23 =	sadd.s32 $0x2000, s23  }
.LBB2_22:
0xf4: {  	s26 =	sshll.u32 s22, $0xD  }
0xf5: {  	s24 =	sadd.s32 s19, s26;
	s26 =	ssub.s32 s20, s26  }
0xf6: {  	s25 =	simm.s32 $0x10180;
	s28 =	sshrl.u32 s24, $0x3;
	p0 =	slt.s32 s26, $0x2000  }
0xf7: {  	p1 =	slt.s32 s26, $0xFFFFFFF2;
	s24 =	sadd.s32 s4, s28;
	s26 =	simm.s32 @!p0 $0x2000  }
0xf8: {  	[tilespmem:s25], [sflag:$0x1] =	stream.linear.gather [hbm4b:s24+s2], $0x2010, $0x200038;
	[tilespmem:$0x16300] =	vst v63  }
0xf9: {  	s29 =	sadd.s32 s5, s28;
	s26 =	sadd.s32 $0xF, s26  }
0xfa: {  	s24 =	simm.s32 $0x12200;
	s31 =	sand.u32 $0xF, s26;
	s30 =	sshra.s32 s26, $0x1F  }
0xfb: {  	[tilespmem:s24], [sflag:$0x1] =	stream.linear.gather [hbm4b:s29+s2], $0x2010, $0x200038;
	[tilespmem:$0x16300] =	vst v63  }
0xfc: {  	p6 =	sne.s32 s31, $0x0;
	s31 =	sshrl.u32 s30, $0x1C  }
0xfd: {  	s28 =	sadd.s32 s1, s28;
	p0 =	por !p1, !p6;
	s26 =	sadd.s32 s31, s26  }
0xfe: {  	[tilespmem:s14], [sflag:$0x1] =	stream.linear.gather [hbm4b:s28+s2], $0x2010, $0x200038;
	[tilespmem:$0x16300] =	vst v63  }
0xff: {  	p0 =	por !p0, !p0;
	s28 =	simm.s32 $0x1;
	_ =	swait.ge [sflag:s11], $0x2010  }
0x100: {  	s26 =	sshra.s32 s26, $0x4;
	s28 =	simm.s32 @!p0 $0x0;
	[sflag:s11] =	ssyncset.done $0x0  }
0x101: {  	s26 =	ssub.s32 s26, s28;
	[sflag:s11] =	ssyncadd.s32 $0xFFFFDFF0  }
0x102: {  	p0 =	slt.s32 s26, $0x1;
	_ =	swait.ge [sflag:s11], $0x2010  }
.Ltmp24:
0x103: {  	[sflag:s11] =	ssyncset.done $0x0;
	(pc) =	sbr.rel @p0 .LBB2_29-.Ltmp24, $4  }
0x104: {  	[sflag:s11] =	ssyncadd.s32 $0xFFFFDFF0  }
0x105: {  	_ =	swait.ge [sflag:s11], $0x2010  }
0x106: {  	[sflag:s11] =	ssyncset.done $0x0  }
0x107: {  	[sflag:s11] =	ssyncadd.s32 $0xFFFFDFF0  }
0x108: {  	p1 =	sne.s32 s26, $0x1  }
.Ltmp25:
0x109: {  	_ = 	snop;
	(pc) =	sbr.rel @!p1 .LBB2_24-.Ltmp25, $2  }
0x10a: {  	_ =	sdelay $0x2  }
0x10b: {  	v5 =	vld [tilespmem:s25+$0x0];
	s28 =	sadd.s32 $0xFFFFFFFF, s26;
	p0 =	por $0x0, $0x0  }
0x10c: {  	v6 =	vld [tilespmem:s24+$0x0];
	_ =	sdelay $0x3  }
0x10d: {  	v7 =	vor.u32 s23, v1;
	v8 =	vsub.s32 v5, v3  }
0x10e: {  	vm0 =	vlt.s32 v7, v4;
	v7 =	vshll.u32 v8, $0xC;
	v9 =	vshll.u32 v6, $0x3  }
0x10f: {  	v5 =	vshll.u32 v5, $0x7;
	v7 =	vand.u32 $0xFFFF8000, v7;
	v9 =	vand.u32 $0xFFFFFC00, v9  }
0x110: {  	vm1 =	vlt.u32 v8, $0x10;
	v5 =	vand.u32 $0x380, v5;
	v7 =	vadd.s32 v9, v7  }
0x111: {  	v6 =	vand.u32 $0x7F, v6;
	vm0 =	vmand vm0, vm1;
	v5 =	vor.u32 v5, v7  }
0x112: {  	v5 =	vor.u32 v6, v5  }
0x113: {  	p1 =	sne.s32 s28, $0x1  }
.Ltmp26:
0x114: {  	_ = 	snop;
	(pc) =	sbr.rel @!p1 .LBB2_26-.Ltmp26, $3  }
0x115: {  	_ =	sdelay $0x1  }
0x116: {  	s26 =	sadd.s32 $0x10, s25;
	s28 =	sadd.s32 $0xFFFFFFFF, s28;
	[tilespmem:v5+s15+$0x0] =	vst.idx.msk vm0, v0  }
0x117: {  	s24 =	sadd.s32 $0x10, s24;
	p0 =	por $0x1, $0x1;
	s25 =	smov.u32 s23;
	v5 =	vld [tilespmem:s26+$0x0]  }
.LBB2_27:
0x118: {  	p1 =	sne.s32 s28, $0x1;
	v6 =	vld [tilespmem:s24+$0x0];
	_ =	sdelay $0x2  }
0x119: {  	s25 =	sadd.s32 $0x10, s25  }
0x11a: {  	v8 =	vsub.s32 v5, v3;
	v7 =	vor.u32 s25, v1  }
0x11b: {  	vm0 =	vlt.s32 v7, v4;
	v7 =	vshll.u32 v8, $0xC;
	v9 =	vshll.u32 v6, $0x3  }
0x11c: {  	v5 =	vshll.u32 v5, $0x7;
	v7 =	vand.u32 $0xFFFF8000, v7;
	v9 =	vand.u32 $0xFFFFFC00, v9  }
0x11d: {  	vm1 =	vlt.u32 v8, $0x10;
	v5 =	vand.u32 $0x380, v5;
	v7 =	vadd.s32 v9, v7  }
0x11e: {  	vm0 =	vmand vm0, vm1;
	v6 =	vand.u32 $0x7F, v6;
	v5 =	vor.u32 v5, v7  }
0x11f: {  	v5 =	vor.u32 v6, v5;
	_ =	sdelay $0x1  }
.Ltmp27:
0x120: {  	(pc) =	sbr.rel @p1 .LBB2_27-.Ltmp27, $3  }
0x121: {  	_ =	sdelay $0x1  }
0x122: {  	s26 =	sadd.s32 $0x10, s26;
	[tilespmem:v5+s15+$0x0] =	vst.idx.msk vm0, v0  }
0x123: {  	s28 =	sadd.s32 $0xFFFFFFFF, s28;
	s24 =	sadd.s32 $0x10, s24;
	v5 =	vld [tilespmem:s26+$0x0]  }
.Ltmp28:
0x124: {  	_ = 	snop;
	(pc) =	sbr.rel .LBB2_28-.Ltmp28, $1  }
0x125: {  	_ =	sdelay $0x3  }
.LBB2_26:
.Ltmp29:
0x126: {  	(pc) =	sbr.rel .LBB2_28-.Ltmp29, $2  }
0x127: {  	_ =	sdelay $0x2  }
0x128: {  	s25 =	smov.u32 s23  }
.LBB2_34:
0x129: {  	_ =	sfence.sel $0x180000  }
0x12a: {  	[bflag:$0x0] =	sbarrier.arrive $0xFFFF  }
0x12b: {  	p0 =	sne.s32 s3, $0x0;
	_ =	strace $0x90000047  }
0x12c: {  	s0 =	sadd.s32 @!p0 $0x100000, s0;
	[bflag:$0x2] =	sbarrier.arrive $0xFFFF  }
0x12d: {  	[sflag:s0] =	ssyncadd.tile.s32 @!p0 $0x1;
	_ =	shalt  }
.Lfunc_end2:
_tile_overlayer_lowered:
.L_overlay_start_2:
0x12e: {  	(tag) =	ssettag $0x2  }
0x12f: {  	s0 =	rddreg [dreg:$0x0];
	s2 =	stileid.u32  }
0x130: {  	s1 =	rddreg [dreg:$0x1];
	p0 =	sne.s32 s2, $0x0  }
0x131: {  	s3 =	rddreg [dreg:$0x2];
	[bflag:$0x3] =	sbarrier.arrive $0xFFFF;
	s2 =	simm.s32 @!p0 $0x1C03  }
0x132: {  	[timem:s3], [sflag:s2] =	dma.local @!p0 [hbm:s0], s1  }
0x133: {  	s0 =	simm.s32 @!p0 $0x3  }
0x134: {  	_ =	swait.ge @!p0 [sflag:s0], s1  }
0x135: {  	s1 =	ssub.s32 @!p0 $0x0, s1;
	[sflag:s0] =	ssyncset.done @!p0 $0x0  }
0x136: {  	[sflag:s0] =	ssyncadd.s32 @!p0 s1  }
0x137: {  	[bflag:$0x3] =	sbarrier.arrive $0xFFFF  }
0x138: {  	_ =	shalt  }

</sc_bundles>
